<compile_context>
chip_gen: v7x
topology: tpu7x:2x2x1
jax: 0.10.2.dev20260603
libtpu: 0.0.44.dev20260713+nightly
codegen_flags: <defaults>
</compile_context>

<pallas_src>
import functools

import jax
import jax.numpy as jnp
from jax import lax
from jax.experimental import pallas as pl
from jax.experimental.pallas import tpu as pltpu
from jax.experimental.pallas import tpu_sc as plsc

N = 10000
NP = 10240
E = 320000
IN_CH = 128
HID = 128
DH = 64
D2 = 16
NC = 2
NS = 16
NW = NC * NS
K = 128
KC32 = 80
KC16 = 158
CAP32 = NW * KC32 * K
CAP16 = NS * KC16 * K
RPT = NP // NS


def _mesh():
    return plsc.VectorSubcoreMesh(core_axis_name="c", subcore_axis_name="s")


def _deg(dsts32, ones16, zeros16):

    @functools.partial(
        pl.kernel,
        out_type=jax.ShapeDtypeStruct((NC, NP, D2), jnp.float32),
        mesh=_mesh(),
        scratch_types=[
            pltpu.VMEM((KC32, K), jnp.int32),
            pltpu.VMEM((K, D2), jnp.float32),
            pltpu.VMEM_SHARED((NP, D2), jnp.float32),
        ],
        compiler_params=pltpu.CompilerParams(use_tc_tiling_on_sc=False),
    )
    def deg_kernel(dsts_hbm, ones_hbm, zeros_hbm, out_hbm, dst_v, ones_v, acc_sh):
        cid = lax.axis_index("c")
        sid = lax.axis_index("s")
        w = cid * NS + sid
        pltpu.sync_copy(dsts_hbm.at[w], dst_v)
        pltpu.sync_copy(ones_hbm, ones_v)
        r0 = sid * RPT
        pltpu.sync_copy(zeros_hbm.at[pl.ds(r0, RPT)], acc_sh.at[pl.ds(r0, RPT)])
        plsc.subcore_barrier()

        @pl.loop(0, KC32)
        def _(g):
            pltpu.sync_copy(ones_v, acc_sh.at[dst_v.at[g]], add=True)

        plsc.subcore_barrier()
        pltpu.sync_copy(acc_sh.at[pl.ds(r0, RPT)], out_hbm.at[cid, pl.ds(r0, RPT)])

    return deg_kernel(dsts32, ones16, zeros16)


def _agg_body(y_hbm, srcs_hbm, dsts_hbm, zeros_hbm, out_hbm,
              src_v, dst_v, buf_a, buf_b, acc_sh, sem_a, sem_b, kc):
    r0 = lax.axis_index("s") * RPT
    pltpu.sync_copy(zeros_hbm.at[pl.ds(r0, RPT)], acc_sh.at[pl.ds(r0, RPT)])
    plsc.subcore_barrier()

    pltpu.async_copy(y_hbm.at[src_v.at[0]], buf_a, sem_a)

    @pl.loop(0, kc, step=2)
    def _(g):
        pltpu.async_copy(y_hbm.at[src_v.at[g + 1]], buf_b, sem_b)
        pltpu.make_async_copy(y_hbm.at[src_v.at[g]], buf_a, sem_a).wait()
        pltpu.sync_copy(buf_a, acc_sh.at[dst_v.at[g]], add=True)

        @pl.when(g + 2 < kc)
        def _():
            pltpu.async_copy(y_hbm.at[src_v.at[g + 2]], buf_a, sem_a)

        pltpu.make_async_copy(y_hbm.at[src_v.at[g + 1]], buf_b, sem_b).wait()
        pltpu.sync_copy(buf_b, acc_sh.at[dst_v.at[g + 1]], add=True)

    plsc.subcore_barrier()
    cid = lax.axis_index("c")
    pltpu.sync_copy(acc_sh.at[pl.ds(r0, RPT)], out_hbm.at[cid, pl.ds(r0, RPT)])


def _agg1(ystack, srcs16s, dsts16, zeros64):

    @functools.partial(
        pl.kernel,
        out_type=jax.ShapeDtypeStruct((NC, NP, DH), jnp.float32),
        mesh=_mesh(),
        scratch_types=[
            pltpu.VMEM((KC16, K), jnp.int32),
            pltpu.VMEM((KC16, K), jnp.int32),
            pltpu.VMEM((K, DH), jnp.float32),
            pltpu.VMEM((K, DH), jnp.float32),
            pltpu.VMEM_SHARED((NP, DH), jnp.float32),
            pltpu.SemaphoreType.DMA,
            pltpu.SemaphoreType.DMA,
        ],
        compiler_params=pltpu.CompilerParams(use_tc_tiling_on_sc=False),
    )
    def agg1_kernel(y_hbm, srcs_hbm, dsts_hbm, zeros_hbm, out_hbm,
                    src_v, dst_v, buf_a, buf_b, acc_sh, sem_a, sem_b):
        cid = lax.axis_index("c")
        sid = lax.axis_index("s")
        pltpu.sync_copy(srcs_hbm.at[cid, sid], src_v)
        pltpu.sync_copy(dsts_hbm.at[sid], dst_v)
        _agg_body(y_hbm, srcs_hbm, dsts_hbm, zeros_hbm, out_hbm,
                  src_v, dst_v, buf_a, buf_b, acc_sh, sem_a, sem_b, KC16)

    return agg1_kernel(ystack, srcs16s, dsts16, zeros64)


def _agg2(y2, srcs32, dsts32, zeros16):

    @functools.partial(
        pl.kernel,
        out_type=jax.ShapeDtypeStruct((NC, NP, D2), jnp.float32),
        mesh=_mesh(),
        scratch_types=[
            pltpu.VMEM((KC32, K), jnp.int32),
            pltpu.VMEM((KC32, K), jnp.int32),
            pltpu.VMEM((K, D2), jnp.float32),
            pltpu.VMEM((K, D2), jnp.float32),
            pltpu.VMEM_SHARED((NP, D2), jnp.float32),
            pltpu.SemaphoreType.DMA,
            pltpu.SemaphoreType.DMA,
        ],
        compiler_params=pltpu.CompilerParams(use_tc_tiling_on_sc=False),
    )
    def agg2_kernel(y_hbm, srcs_hbm, dsts_hbm, zeros_hbm, out_hbm,
                    src_v, dst_v, buf_a, buf_b, acc_sh, sem_a, sem_b):
        cid = lax.axis_index("c")
        sid = lax.axis_index("s")
        w = cid * NS + sid
        pltpu.sync_copy(srcs_hbm.at[w], src_v)
        pltpu.sync_copy(dsts_hbm.at[w], dst_v)
        _agg_body(y_hbm, srcs_hbm, dsts_hbm, zeros_hbm, out_hbm,
                  src_v, dst_v, buf_a, buf_b, acc_sh, sem_a, sem_b, KC32)

    return agg2_kernel(y2, srcs32, dsts32, zeros16)


def _prep1(x_pad, W1s, degs):
    G = 10
    BR = NP // G

    def body(x_ref, w_ref, dg_ref, y_ref):
        dinv = lax.rsqrt(dg_ref[0, :, 0:1] + dg_ref[1, :, 0:1] + 1.0)
        xw = jnp.dot(x_ref[...], w_ref[0], preferred_element_type=jnp.float32)
        y_ref[...] = dinv * xw

    return pl.pallas_call(
        body,
        grid=(NC, G),
        in_specs=[
            pl.BlockSpec((BR, IN_CH), lambda c, i: (i, 0)),
            pl.BlockSpec((1, IN_CH, DH), lambda c, i: (c, 0, 0)),
            pl.BlockSpec((NC, BR, D2), lambda c, i: (0, i, 0)),
        ],
        out_specs=pl.BlockSpec((BR, DH), lambda c, i: (c * G + i, 0)),
        out_shape=jax.ShapeDtypeStruct((NC * NP, DH), jnp.float32),
    )(x_pad, W1s, degs)


def _prep2(acc1, ystack, degs, b1r, W2p):
    G = 10
    BR = NP // G

    def body(a0_ref, a1_ref, y0_ref, y1_ref, dg_ref, b1_ref, w2_ref, y2_ref):
        dinv = lax.rsqrt(dg_ref[0, :, 0:1] + dg_ref[1, :, 0:1] + 1.0)
        pre = jnp.concatenate(
            [a0_ref[0] + y0_ref[...], a1_ref[0] + y1_ref[...]], axis=1)
        h1 = jnp.maximum(dinv * pre + b1_ref[...], 0.0)
        y2_ref[...] = dinv * jnp.dot(h1, w2_ref[...], preferred_element_type=jnp.float32)

    half0 = pl.BlockSpec((1, BR, DH), lambda i: (0, i, 0))
    half1 = pl.BlockSpec((1, BR, DH), lambda i: (1, i, 0))
    yhalf0 = pl.BlockSpec((BR, DH), lambda i: (i, 0))
    yhalf1 = pl.BlockSpec((BR, DH), lambda i: (G + i, 0))
    return pl.pallas_call(
        body,
        grid=(G,),
        in_specs=[
            half0, half1, yhalf0, yhalf1,
            pl.BlockSpec((NC, BR, D2), lambda i: (0, i, 0)),
            pl.BlockSpec((1, HID), lambda i: (0, 0)),
            pl.BlockSpec((HID, D2), lambda i: (0, 0)),
        ],
        out_specs=pl.BlockSpec((BR, D2), lambda i: (i, 0)),
        out_shape=jax.ShapeDtypeStruct((NP, D2), jnp.float32),
    )(acc1, acc1, ystack, ystack, degs, b1r, W2p)


def _head(acc2, y2, degs, b2p, wlp, blp):

    def body(aa_ref, ab_ref, y2_ref, dg_ref, b2_ref, wl_ref, bl_ref, out_ref):
        dinv = lax.rsqrt(dg_ref[0, :, 0:1] + dg_ref[1, :, 0:1] + 1.0)
        h2 = jnp.maximum(
            dinv * (aa_ref[0] + ab_ref[0] + y2_ref[...]) + b2_ref[...], 0.0)
        rows = lax.broadcasted_iota(jnp.int32, (NP, 1), 0)
        gmean = jnp.sum(jnp.where(rows < N, h2, 0.0), axis=0) * (1.0 / N)
        res = jnp.sum(gmean[None, :] * wl_ref[...], axis=1) + bl_ref[0, :]
        out_ref[...] = res[None, :]

    return pl.pallas_call(
        body,
        grid=(1,),
        in_specs=[
            pl.BlockSpec((1, NP, D2), lambda i: (0, 0, 0)),
            pl.BlockSpec((1, NP, D2), lambda i: (1, 0, 0)),
            pl.BlockSpec((NP, D2), lambda i: (0, 0)),
            pl.BlockSpec((NC, NP, D2), lambda i: (0, 0, 0)),
            pl.BlockSpec((1, D2), lambda i: (0, 0)),
            pl.BlockSpec((D2, D2), lambda i: (0, 0)),
            pl.BlockSpec((1, D2), lambda i: (0, 0)),
        ],
        out_specs=pl.BlockSpec((1, D2), lambda i: (0, 0)),
        out_shape=jax.ShapeDtypeStruct((1, D2), jnp.float32),
    )(acc2, acc2, y2, degs, b2p, wlp, blp)


def kernel(x, edge_index, W1, b1, W2, b2, Wl, bl):
    src = edge_index[0].astype(jnp.int32)
    dst = edge_index[1].astype(jnp.int32)

    pad32 = jnp.full((CAP32 - E,), N, jnp.int32)
    srcs32 = jnp.concatenate([src, pad32]).reshape(NW, KC32, K)
    dsts32 = jnp.concatenate([dst, pad32]).reshape(NW, KC32, K)

    pad16 = jnp.full((CAP16 - E,), N, jnp.int32)
    srcs16 = jnp.concatenate([src, pad16]).reshape(NS, KC16, K)
    dsts16 = jnp.concatenate([dst, pad16]).reshape(NS, KC16, K)
    srcs16s = jnp.stack([srcs16, srcs16 + NP])

    x_pad = jnp.zeros((NP, IN_CH), jnp.float32).at[:N].set(x)
    W1s = jnp.stack([W1[:, :DH], W1[:, DH:]])
    zeros64 = jnp.zeros((NP, DH), jnp.float32)
    zeros16 = jnp.zeros((NP, D2), jnp.float32)
    ones16 = jnp.ones((K, D2), jnp.float32)
    W2p = jnp.zeros((HID, D2), jnp.float32).at[:, :2].set(W2)
    b1r = b1.reshape(1, HID)
    b2p = jnp.zeros((1, D2), jnp.float32).at[0, :2].set(b2)
    wlp = jnp.zeros((D2, D2), jnp.float32).at[:2, :2].set(Wl)
    blp = jnp.zeros((1, D2), jnp.float32).at[0, :2].set(bl)

    degs = _deg(dsts32, ones16, zeros16)
    ystack = _prep1(x_pad, W1s, degs)
    acc1 = _agg1(ystack, srcs16s, dsts16, zeros64)
    y2 = _prep2(acc1, ystack, degs, b1r, W2p)
    acc2 = _agg2(y2, srcs32, dsts32, zeros16)
    res = _head(acc2, y2, degs, b2p, wlp, blp)
    return res[0, :2]

# --- scband reference (transcript-rebuilt; emitter-appended) ---
"""Pipeline reference for scband-source-locator-gnn-77481210020317 (READ-ONLY COPY).

The authoritative reference and input builder live on the scoring server;
editing this copy changes nothing except your own understanding.
"""

import jax, jax.numpy as jnp
import numpy as np

N_NODES = 10000
N_EDGES = 320000
IN_CH = 128
HID_CH = 128
OUT_CH = 2


def gcn_conv(x, edge_index, W, b):
    # PyG-style GCNConv: add self-loops, symmetric normalization, scatter-add aggregation
    N = x.shape[0]
    loop = jnp.arange(N, dtype=edge_index.dtype)
    src = jnp.concatenate([edge_index[0], loop])
    dst = jnp.concatenate([edge_index[1], loop])
    xw = x @ W  # [N, out]
    deg = jnp.zeros((N,), dtype=x.dtype).at[dst].add(1.0)
    dinv = jax.lax.rsqrt(deg)  # deg >= 1 due to self-loops
    norm = dinv[src] * dinv[dst]  # [E+N]
    msgs = xw[src] * norm[:, None]  # gather + scale
    out = jnp.zeros((N, W.shape[1]), dtype=x.dtype).at[dst].add(msgs)  # scatter-add
    return out + b


def setup_inputs(seed: int = 0) -> dict:
    key = jax.random.key(seed)
    k = jax.random.split(key, 8)
    x = jax.random.normal(k[0], (N_NODES, IN_CH), dtype=jnp.float32)
    edge_index = jax.random.randint(k[1], (2, N_EDGES), 0, N_NODES, dtype=jnp.int64)
    W1 = jax.random.normal(k[2], (IN_CH, HID_CH), dtype=jnp.float32) * (1.0 / np.sqrt(IN_CH))
    b1 = jnp.zeros((HID_CH,), dtype=jnp.float32)
    W2 = jax.random.normal(k[3], (HID_CH, OUT_CH), dtype=jnp.float32) * (1.0 / np.sqrt(HID_CH))
    b2 = jnp.zeros((OUT_CH,), dtype=jnp.float32)
    Wl = jax.random.normal(k[4], (OUT_CH, OUT_CH), dtype=jnp.float32) * (1.0 / np.sqrt(OUT_CH))
    bl = jax.random.normal(k[5], (OUT_CH,), dtype=jnp.float32) * 0.01
    return {"x": x, "edge_index": edge_index, "W1": W1, "b1": b1, "W2": W2, "b2": b2, "Wl": Wl, "bl": bl}


def reference(x, edge_index, W1, b1, W2, b2, Wl, bl):
    h = jax.nn.relu(gcn_conv(x, edge_index, W1, b1))
    h = jax.nn.relu(gcn_conv(h, edge_index, W2, b2))
    g = jnp.mean(h, axis=0)  # [OUT_CH]
    return g @ Wl.T + bl

if __name__ == "__main__":
    import jax
    _d = setup_inputs()
    print(jax.jit(kernel)(*tuple(_d.values())))

</pallas_src>

<mosaic_0001>
#map = affine_map<(d0, d1) -> (0, 0)>
#map1 = affine_map<(d0, d1) -> (0, 0, 0, 0)>
#map2 = affine_map<(d0, d1) -> (0, 0, 0)>
module attributes {stable_mosaic.version = 14 : i64} {
  func.func @agg1_kernel(%arg0: i32, %arg1: i32, %arg2: memref<20480x64xf32, #tpu.memory_space<hbm>>, %arg3: memref<2x16x158x128xi32, #tpu.memory_space<hbm>>, %arg4: memref<16x158x128xi32, #tpu.memory_space<hbm>>, %arg5: memref<10240x64xf32, #tpu.memory_space<hbm>>, %arg6: memref<2x10240x64xf32, #tpu.memory_space<hbm>>, %arg7: memref<158x128xi32, #tpu.memory_space<vmem>>, %arg8: memref<158x128xi32, #tpu.memory_space<vmem>>, %arg9: memref<128x64xf32, #tpu.memory_space<vmem>>, %arg10: memref<128x64xf32, #tpu.memory_space<vmem>>, %arg11: memref<10240x64xf32, #tpu.memory_space<vmem_shared>>, %arg12: memref<!tpu.dma_semaphore, #tpu.memory_space<semaphore_mem>>, %arg13: memref<!tpu.dma_semaphore, #tpu.memory_space<semaphore_mem>>) attributes {dimension_semantics = [#tpu.dimension_semantics<core_parallel>, #tpu.dimension_semantics<subcore_parallel>], iteration_bounds = array<i64: 2, 16>, scalar_prefetch = 0 : i64, scratch_operands = 7 : i64, tpu.core_type = #tpu.core_type<sc_vector_subcore>, window_params = [{transform_indices = #map}, {transform_indices = #map1}, {transform_indices = #map2}, {transform_indices = #map}, {transform_indices = #map2}]} {
    "tpu.region"() ({
      %run_scoped3A = tpu.sem_alloc : memref<!tpu.dma_semaphore, #tpu.memory_space<semaphore_mem>>
      %dma_start3A_12 = arith.constant 0 : i32
      %dma_start3A_13 = arith.constant 0 : i32
      %dma_start3A_14 = tpu.memref_slice %arg3[%arg0, %arg1, %dma_start3A_12, %dma_start3A_13] : memref<2x16x158x128xi32, #tpu.memory_space<hbm>> -> memref<1x1x158x128xi32, #tpu.memory_space<hbm>>
      %dma_start3A_15 = tpu.memref_squeeze %dma_start3A_14 : memref<1x1x158x128xi32, #tpu.memory_space<hbm>> -> memref<158x128xi32, #tpu.memory_space<hbm>>
      %dma_start3A_16 = arith.constant 0 : i32
      %dma_start3A_17 = arith.constant 0 : i32
      %dma_start3A_18 = tpu.memref_slice %arg3[%arg0, %arg1, %dma_start3A_16, %dma_start3A_17] : memref<2x16x158x128xi32, #tpu.memory_space<hbm>> -> memref<1x1x158x128xi32, #tpu.memory_space<hbm>>
      %dma_start3A_19 = tpu.memref_squeeze %dma_start3A_18 : memref<1x1x158x128xi32, #tpu.memory_space<hbm>> -> memref<158x128xi32, #tpu.memory_space<hbm>>
      tpu.enqueue_dma source(%dma_start3A_19 : memref<158x128xi32, #tpu.memory_space<hbm>>) target(%arg7 : memref<158x128xi32, #tpu.memory_space<vmem>>) target_semaphore(%run_scoped3A : memref<!tpu.dma_semaphore, #tpu.memory_space<semaphore_mem>>)
      %dma_wait3A = arith.constant 0 : i32
      %dma_wait3A_20 = arith.constant 0 : i32
      %dma_wait3A_21 = tpu.memref_slice %arg3[%arg0, %arg1, %dma_wait3A, %dma_wait3A_20] : memref<2x16x158x128xi32, #tpu.memory_space<hbm>> -> memref<1x1x158x128xi32, #tpu.memory_space<hbm>>
      %dma_wait3A_22 = tpu.memref_squeeze %dma_wait3A_21 : memref<1x1x158x128xi32, #tpu.memory_space<hbm>> -> memref<158x128xi32, #tpu.memory_space<hbm>>
      %dma_wait3A_23 = arith.constant 0 : i32
      %dma_wait3A_24 = arith.constant 0 : i32
      %dma_wait3A_25 = tpu.memref_slice %arg3[%arg0, %arg1, %dma_wait3A_23, %dma_wait3A_24] : memref<2x16x158x128xi32, #tpu.memory_space<hbm>> -> memref<1x1x158x128xi32, #tpu.memory_space<hbm>>
      %dma_wait3A_26 = tpu.memref_squeeze %dma_wait3A_25 : memref<1x1x158x128xi32, #tpu.memory_space<hbm>> -> memref<158x128xi32, #tpu.memory_space<hbm>>
      tpu.wait_dma2 semaphore(%run_scoped3A : memref<!tpu.dma_semaphore, #tpu.memory_space<semaphore_mem>>) src(%dma_wait3A_26 : memref<158x128xi32, #tpu.memory_space<hbm>>) dst(%arg7 : memref<158x128xi32, #tpu.memory_space<vmem>>)
      tpu.yield
    }) : () -> ()
    "tpu.region"() ({
      %run_scoped3A = tpu.sem_alloc : memref<!tpu.dma_semaphore, #tpu.memory_space<semaphore_mem>>
      %dma_start3A_12 = arith.constant 0 : i32
      %dma_start3A_13 = arith.constant 0 : i32
      %dma_start3A_14 = tpu.memref_slice %arg4[%arg1, %dma_start3A_12, %dma_start3A_13] : memref<16x158x128xi32, #tpu.memory_space<hbm>> -> memref<1x158x128xi32, #tpu.memory_space<hbm>>
      %dma_start3A_15 = tpu.memref_squeeze %dma_start3A_14 : memref<1x158x128xi32, #tpu.memory_space<hbm>> -> memref<158x128xi32, #tpu.memory_space<hbm>>
      %dma_start3A_16 = arith.constant 0 : i32
      %dma_start3A_17 = arith.constant 0 : i32
      %dma_start3A_18 = tpu.memref_slice %arg4[%arg1, %dma_start3A_16, %dma_start3A_17] : memref<16x158x128xi32, #tpu.memory_space<hbm>> -> memref<1x158x128xi32, #tpu.memory_space<hbm>>
      %dma_start3A_19 = tpu.memref_squeeze %dma_start3A_18 : memref<1x158x128xi32, #tpu.memory_space<hbm>> -> memref<158x128xi32, #tpu.memory_space<hbm>>
      tpu.enqueue_dma source(%dma_start3A_19 : memref<158x128xi32, #tpu.memory_space<hbm>>) target(%arg8 : memref<158x128xi32, #tpu.memory_space<vmem>>) target_semaphore(%run_scoped3A : memref<!tpu.dma_semaphore, #tpu.memory_space<semaphore_mem>>)
      %dma_wait3A = arith.constant 0 : i32
      %dma_wait3A_20 = arith.constant 0 : i32
      %dma_wait3A_21 = tpu.memref_slice %arg4[%arg1, %dma_wait3A, %dma_wait3A_20] : memref<16x158x128xi32, #tpu.memory_space<hbm>> -> memref<1x158x128xi32, #tpu.memory_space<hbm>>
      %dma_wait3A_22 = tpu.memref_squeeze %dma_wait3A_21 : memref<1x158x128xi32, #tpu.memory_space<hbm>> -> memref<158x128xi32, #tpu.memory_space<hbm>>
      %dma_wait3A_23 = arith.constant 0 : i32
      %dma_wait3A_24 = arith.constant 0 : i32
      %dma_wait3A_25 = tpu.memref_slice %arg4[%arg1, %dma_wait3A_23, %dma_wait3A_24] : memref<16x158x128xi32, #tpu.memory_space<hbm>> -> memref<1x158x128xi32, #tpu.memory_space<hbm>>
      %dma_wait3A_26 = tpu.memref_squeeze %dma_wait3A_25 : memref<1x158x128xi32, #tpu.memory_space<hbm>> -> memref<158x128xi32, #tpu.memory_space<hbm>>
      tpu.wait_dma2 semaphore(%run_scoped3A : memref<!tpu.dma_semaphore, #tpu.memory_space<semaphore_mem>>) src(%dma_wait3A_26 : memref<158x128xi32, #tpu.memory_space<hbm>>) dst(%arg8 : memref<158x128xi32, #tpu.memory_space<vmem>>)
      tpu.yield
    }) : () -> ()
    %mul3A = arith.constant 640 : i32
    %mul3A_0 = arith.muli %arg1, %mul3A : i32
    "tpu.region"() ({
      %run_scoped3A = tpu.sem_alloc : memref<!tpu.dma_semaphore, #tpu.memory_space<semaphore_mem>>
      %dma_start3A_12 = arith.constant 0 : i32
      %dma_start3A_13 = tpu.memref_slice %arg11[%mul3A_0, %dma_start3A_12] : memref<10240x64xf32, #tpu.memory_space<vmem_shared>> -> memref<640x64xf32, #tpu.memory_space<vmem_shared>>
      %dma_start3A_14 = arith.constant 0 : i32
      %dma_start3A_15 = tpu.memref_slice %arg5[%mul3A_0, %dma_start3A_14] : memref<10240x64xf32, #tpu.memory_space<hbm>> -> memref<640x64xf32, #tpu.memory_space<hbm>>
      tpu.enqueue_dma source(%dma_start3A_15 : memref<640x64xf32, #tpu.memory_space<hbm>>) target(%dma_start3A_13 : memref<640x64xf32, #tpu.memory_space<vmem_shared>>) target_semaphore(%run_scoped3A : memref<!tpu.dma_semaphore, #tpu.memory_space<semaphore_mem>>)
      %dma_wait3A = arith.constant 0 : i32
      %dma_wait3A_16 = tpu.memref_slice %arg11[%mul3A_0, %dma_wait3A] : memref<10240x64xf32, #tpu.memory_space<vmem_shared>> -> memref<640x64xf32, #tpu.memory_space<vmem_shared>>
      %dma_wait3A_17 = arith.constant 0 : i32
      %dma_wait3A_18 = tpu.memref_slice %arg5[%mul3A_0, %dma_wait3A_17] : memref<10240x64xf32, #tpu.memory_space<hbm>> -> memref<640x64xf32, #tpu.memory_space<hbm>>
      tpu.wait_dma2 semaphore(%run_scoped3A : memref<!tpu.dma_semaphore, #tpu.memory_space<semaphore_mem>>) src(%dma_wait3A_18 : memref<640x64xf32, #tpu.memory_space<hbm>>) dst(%dma_wait3A_16 : memref<640x64xf32, #tpu.memory_space<vmem_shared>>)
      tpu.yield
    }) : () -> ()
    %barrier3A = arith.constant 0 : index
    tpu.barrier barrier_id(%barrier3A)
    %dma_start3A = arith.constant 0 : i32
    %dma_start3A_1 = arith.constant 0 : i32
    %dma_start3A_2 = tpu.memref_slice %arg7[%dma_start3A, %dma_start3A_1] : memref<158x128xi32, #tpu.memory_space<vmem>> -> memref<1x128xi32, #tpu.memory_space<vmem>>
    %dma_start3A_3 = tpu.memref_squeeze %dma_start3A_2 : memref<1x128xi32, #tpu.memory_space<vmem>> -> memref<128xi32, #tpu.memory_space<vmem>>
    %dma_start3A_4 = arith.constant 0 : i32
    %dma_start3A_5 = arith.constant 0 : i32
    %dma_start3A_6 = tpu.memref_slice %arg2[%dma_start3A_4, %dma_start3A_5] : memref<20480x64xf32, #tpu.memory_space<hbm>> -> memref<20480x64xf32, #tpu.memory_space<hbm>>
    tpu.enqueue_indirect_dma source(%dma_start3A_6 : memref<20480x64xf32, #tpu.memory_space<hbm>>) target(%arg9 : memref<128x64xf32, #tpu.memory_space<vmem>>) offsets(%dma_start3A_3 : memref<128xi32, #tpu.memory_space<vmem>>) semaphore(%arg12 : memref<!tpu.dma_semaphore, #tpu.memory_space<semaphore_mem>>)
    %scan3A = arith.constant 0 : i32
    %scan3A_7 = arith.constant 79 : i32
    %scan3A_8 = arith.addi %scan3A, %scan3A_7 : i32
    %scan3A_9 = arith.constant 1 : i32
    scf.for %scan3A_12 = %scan3A to %scan3A_8 step %scan3A_9  : i32 {
      %mul3A_13 = arith.constant 2 : i32
      %mul3A_14 = arith.muli %scan3A_12, %mul3A_13 : i32
      %add3A = arith.constant 0 : i32
      %add3A_15 = arith.addi %add3A, %mul3A_14 : i32
      %add3A_16 = arith.constant 1 : i32
      %add3A_17 = arith.addi %add3A_15, %add3A_16 : i32
      %dma_start3A_18 = arith.constant 0 : i32
      %dma_start3A_19 = tpu.memref_slice %arg7[%add3A_17, %dma_start3A_18] : memref<158x128xi32, #tpu.memory_space<vmem>> -> memref<1x128xi32, #tpu.memory_space<vmem>>
      %dma_start3A_20 = tpu.memref_squeeze %dma_start3A_19 : memref<1x128xi32, #tpu.memory_space<vmem>> -> memref<128xi32, #tpu.memory_space<vmem>>
      %dma_start3A_21 = arith.constant 0 : i32
      %dma_start3A_22 = arith.constant 0 : i32
      %dma_start3A_23 = tpu.memref_slice %arg2[%dma_start3A_21, %dma_start3A_22] : memref<20480x64xf32, #tpu.memory_space<hbm>> -> memref<20480x64xf32, #tpu.memory_space<hbm>>
      tpu.enqueue_indirect_dma source(%dma_start3A_23 : memref<20480x64xf32, #tpu.memory_space<hbm>>) target(%arg10 : memref<128x64xf32, #tpu.memory_space<vmem>>) offsets(%dma_start3A_20 : memref<128xi32, #tpu.memory_space<vmem>>) semaphore(%arg13 : memref<!tpu.dma_semaphore, #tpu.memory_space<semaphore_mem>>)
      %dma_wait3A = arith.constant 0 : i32
      %dma_wait3A_24 = tpu.memref_slice %arg7[%add3A_15, %dma_wait3A] : memref<158x128xi32, #tpu.memory_space<vmem>> -> memref<1x128xi32, #tpu.memory_space<vmem>>
      %dma_wait3A_25 = tpu.memref_squeeze %dma_wait3A_24 : memref<1x128xi32, #tpu.memory_space<vmem>> -> memref<128xi32, #tpu.memory_space<vmem>>
      %dma_wait3A_26 = arith.constant 0 : i32
      %dma_wait3A_27 = arith.constant 0 : i32
      %dma_wait3A_28 = tpu.memref_slice %arg2[%dma_wait3A_26, %dma_wait3A_27] : memref<20480x64xf32, #tpu.memory_space<hbm>> -> memref<20480x64xf32, #tpu.memory_space<hbm>>
      tpu.wait_indirect_dma semaphore(%arg12 : memref<!tpu.dma_semaphore, #tpu.memory_space<semaphore_mem>>) src(%dma_wait3A_28 : memref<20480x64xf32, #tpu.memory_space<hbm>>) dst(%arg9 : memref<128x64xf32, #tpu.memory_space<vmem>>)
      "tpu.region"() ({
        %run_scoped3A = tpu.sem_alloc : memref<!tpu.dma_semaphore, #tpu.memory_space<semaphore_mem>>
        %dma_start3A_43 = arith.constant 0 : i32
        %dma_start3A_44 = tpu.memref_slice %arg8[%add3A_15, %dma_start3A_43] : memref<158x128xi32, #tpu.memory_space<vmem>> -> memref<1x128xi32, #tpu.memory_space<vmem>>
        %dma_start3A_45 = tpu.memref_squeeze %dma_start3A_44 : memref<1x128xi32, #tpu.memory_space<vmem>> -> memref<128xi32, #tpu.memory_space<vmem>>
        %dma_start3A_46 = arith.constant 0 : i32
        %dma_start3A_47 = arith.constant 0 : i32
        %dma_start3A_48 = tpu.memref_slice %arg11[%dma_start3A_46, %dma_start3A_47] : memref<10240x64xf32, #tpu.memory_space<vmem_shared>> -> memref<10240x64xf32, #tpu.memory_space<vmem_shared>>
        tpu.enqueue_indirect_dma source(%arg9 : memref<128x64xf32, #tpu.memory_space<vmem>>) target(%dma_start3A_48 : memref<10240x64xf32, #tpu.memory_space<vmem_shared>>) offsets(%dma_start3A_45 : memref<128xi32, #tpu.memory_space<vmem>>) semaphore(%run_scoped3A : memref<!tpu.dma_semaphore, #tpu.memory_space<semaphore_mem>>) {add = true}
        %dma_wait3A_49 = arith.constant 0 : i32
        %dma_wait3A_50 = tpu.memref_slice %arg8[%add3A_15, %dma_wait3A_49] : memref<158x128xi32, #tpu.memory_space<vmem>> -> memref<1x128xi32, #tpu.memory_space<vmem>>
        %dma_wait3A_51 = tpu.memref_squeeze %dma_wait3A_50 : memref<1x128xi32, #tpu.memory_space<vmem>> -> memref<128xi32, #tpu.memory_space<vmem>>
        %dma_wait3A_52 = arith.constant 0 : i32
        %dma_wait3A_53 = arith.constant 0 : i32
        %dma_wait3A_54 = tpu.memref_slice %arg11[%dma_wait3A_52, %dma_wait3A_53] : memref<10240x64xf32, #tpu.memory_space<vmem_shared>> -> memref<10240x64xf32, #tpu.memory_space<vmem_shared>>
        tpu.wait_indirect_dma semaphore(%run_scoped3A : memref<!tpu.dma_semaphore, #tpu.memory_space<semaphore_mem>>) src(%arg9 : memref<128x64xf32, #tpu.memory_space<vmem>>) dst(%dma_wait3A_54 : memref<10240x64xf32, #tpu.memory_space<vmem_shared>>)
        tpu.yield
      }) : () -> ()
      %add3A_29 = arith.constant 2 : i32
      %add3A_30 = arith.addi %add3A_15, %add3A_29 : i32
      %lt3A = arith.constant 158 : i32
      %lt3A_31 = arith.cmpi slt, %add3A_30, %lt3A : i32
      %convert_element_type3A = arith.extui %lt3A_31 : i1 to i32
      %cond3A = arith.constant 0 : i32
      %cond3A_32 = arith.cmpi ne, %convert_element_type3A, %cond3A : i32
      scf.if %cond3A_32 {
        %add3A_43 = arith.constant 2 : i32
        %add3A_44 = arith.addi %add3A_15, %add3A_43 : i32
        %dma_start3A_45 = arith.constant 0 : i32
        %dma_start3A_46 = tpu.memref_slice %arg7[%add3A_44, %dma_start3A_45] : memref<158x128xi32, #tpu.memory_space<vmem>> -> memref<1x128xi32, #tpu.memory_space<vmem>>
        %dma_start3A_47 = tpu.memref_squeeze %dma_start3A_46 : memref<1x128xi32, #tpu.memory_space<vmem>> -> memref<128xi32, #tpu.memory_space<vmem>>
        %dma_start3A_48 = arith.constant 0 : i32
        %dma_start3A_49 = arith.constant 0 : i32
        %dma_start3A_50 = tpu.memref_slice %arg2[%dma_start3A_48, %dma_start3A_49] : memref<20480x64xf32, #tpu.memory_space<hbm>> -> memref<20480x64xf32, #tpu.memory_space<hbm>>
        tpu.enqueue_indirect_dma source(%dma_start3A_50 : memref<20480x64xf32, #tpu.memory_space<hbm>>) target(%arg9 : memref<128x64xf32, #tpu.memory_space<vmem>>) offsets(%dma_start3A_47 : memref<128xi32, #tpu.memory_space<vmem>>) semaphore(%arg12 : memref<!tpu.dma_semaphore, #tpu.memory_space<semaphore_mem>>)
      } else {
      }
      %add3A_33 = arith.constant 1 : i32
      %add3A_34 = arith.addi %add3A_15, %add3A_33 : i32
      %dma_wait3A_35 = arith.constant 0 : i32
      %dma_wait3A_36 = tpu.memref_slice %arg7[%add3A_34, %dma_wait3A_35] : memref<158x128xi32, #tpu.memory_space<vmem>> -> memref<1x128xi32, #tpu.memory_space<vmem>>
      %dma_wait3A_37 = tpu.memref_squeeze %dma_wait3A_36 : memref<1x128xi32, #tpu.memory_space<vmem>> -> memref<128xi32, #tpu.memory_space<vmem>>
      %dma_wait3A_38 = arith.constant 0 : i32
      %dma_wait3A_39 = arith.constant 0 : i32
      %dma_wait3A_40 = tpu.memref_slice %arg2[%dma_wait3A_38, %dma_wait3A_39] : memref<20480x64xf32, #tpu.memory_space<hbm>> -> memref<20480x64xf32, #tpu.memory_space<hbm>>
      tpu.wait_indirect_dma semaphore(%arg13 : memref<!tpu.dma_semaphore, #tpu.memory_space<semaphore_mem>>) src(%dma_wait3A_40 : memref<20480x64xf32, #tpu.memory_space<hbm>>) dst(%arg10 : memref<128x64xf32, #tpu.memory_space<vmem>>)
      %add3A_41 = arith.constant 1 : i32
      %add3A_42 = arith.addi %add3A_15, %add3A_41 : i32
      "tpu.region"() ({
        %run_scoped3A = tpu.sem_alloc : memref<!tpu.dma_semaphore, #tpu.memory_space<semaphore_mem>>
        %dma_start3A_43 = arith.constant 0 : i32
        %dma_start3A_44 = tpu.memref_slice %arg8[%add3A_42, %dma_start3A_43] : memref<158x128xi32, #tpu.memory_space<vmem>> -> memref<1x128xi32, #tpu.memory_space<vmem>>
        %dma_start3A_45 = tpu.memref_squeeze %dma_start3A_44 : memref<1x128xi32, #tpu.memory_space<vmem>> -> memref<128xi32, #tpu.memory_space<vmem>>
        %dma_start3A_46 = arith.constant 0 : i32
        %dma_start3A_47 = arith.constant 0 : i32
        %dma_start3A_48 = tpu.memref_slice %arg11[%dma_start3A_46, %dma_start3A_47] : memref<10240x64xf32, #tpu.memory_space<vmem_shared>> -> memref<10240x64xf32, #tpu.memory_space<vmem_shared>>
        tpu.enqueue_indirect_dma source(%arg10 : memref<128x64xf32, #tpu.memory_space<vmem>>) target(%dma_start3A_48 : memref<10240x64xf32, #tpu.memory_space<vmem_shared>>) offsets(%dma_start3A_45 : memref<128xi32, #tpu.memory_space<vmem>>) semaphore(%run_scoped3A : memref<!tpu.dma_semaphore, #tpu.memory_space<semaphore_mem>>) {add = true}
        %dma_wait3A_49 = arith.constant 0 : i32
        %dma_wait3A_50 = tpu.memref_slice %arg8[%add3A_42, %dma_wait3A_49] : memref<158x128xi32, #tpu.memory_space<vmem>> -> memref<1x128xi32, #tpu.memory_space<vmem>>
        %dma_wait3A_51 = tpu.memref_squeeze %dma_wait3A_50 : memref<1x128xi32, #tpu.memory_space<vmem>> -> memref<128xi32, #tpu.memory_space<vmem>>
        %dma_wait3A_52 = arith.constant 0 : i32
        %dma_wait3A_53 = arith.constant 0 : i32
        %dma_wait3A_54 = tpu.memref_slice %arg11[%dma_wait3A_52, %dma_wait3A_53] : memref<10240x64xf32, #tpu.memory_space<vmem_shared>> -> memref<10240x64xf32, #tpu.memory_space<vmem_shared>>
        tpu.wait_indirect_dma semaphore(%run_scoped3A : memref<!tpu.dma_semaphore, #tpu.memory_space<semaphore_mem>>) src(%arg10 : memref<128x64xf32, #tpu.memory_space<vmem>>) dst(%dma_wait3A_54 : memref<10240x64xf32, #tpu.memory_space<vmem_shared>>)
        tpu.yield
      }) : () -> ()
    }
    %scan3A_10 = arith.constant 79 : i32
    %barrier3A_11 = arith.constant 0 : index
    tpu.barrier barrier_id(%barrier3A_11)
    "tpu.region"() ({
      %run_scoped3A = tpu.sem_alloc : memref<!tpu.dma_semaphore, #tpu.memory_space<semaphore_mem>>
      %dma_start3A_12 = arith.constant 0 : i32
      %dma_start3A_13 = tpu.memref_slice %arg6[%arg0, %mul3A_0, %dma_start3A_12] : memref<2x10240x64xf32, #tpu.memory_space<hbm>> -> memref<1x640x64xf32, #tpu.memory_space<hbm>>
      %dma_start3A_14 = tpu.memref_squeeze %dma_start3A_13 : memref<1x640x64xf32, #tpu.memory_space<hbm>> -> memref<640x64xf32, #tpu.memory_space<hbm>>
      %dma_start3A_15 = arith.constant 0 : i32
      %dma_start3A_16 = tpu.memref_slice %arg11[%mul3A_0, %dma_start3A_15] : memref<10240x64xf32, #tpu.memory_space<vmem_shared>> -> memref<640x64xf32, #tpu.memory_space<vmem_shared>>
      tpu.enqueue_dma source(%dma_start3A_16 : memref<640x64xf32, #tpu.memory_space<vmem_shared>>) target(%dma_start3A_14 : memref<640x64xf32, #tpu.memory_space<hbm>>) target_semaphore(%run_scoped3A : memref<!tpu.dma_semaphore, #tpu.memory_space<semaphore_mem>>)
      %dma_wait3A = arith.constant 0 : i32
      %dma_wait3A_17 = tpu.memref_slice %arg6[%arg0, %mul3A_0, %dma_wait3A] : memref<2x10240x64xf32, #tpu.memory_space<hbm>> -> memref<1x640x64xf32, #tpu.memory_space<hbm>>
      %dma_wait3A_18 = tpu.memref_squeeze %dma_wait3A_17 : memref<1x640x64xf32, #tpu.memory_space<hbm>> -> memref<640x64xf32, #tpu.memory_space<hbm>>
      %dma_wait3A_19 = arith.constant 0 : i32
      %dma_wait3A_20 = tpu.memref_slice %arg11[%mul3A_0, %dma_wait3A_19] : memref<10240x64xf32, #tpu.memory_space<vmem_shared>> -> memref<640x64xf32, #tpu.memory_space<vmem_shared>>
      tpu.wait_dma2 semaphore(%run_scoped3A : memref<!tpu.dma_semaphore, #tpu.memory_space<semaphore_mem>>) src(%dma_wait3A_20 : memref<640x64xf32, #tpu.memory_space<vmem_shared>>) dst(%dma_wait3A_18 : memref<640x64xf32, #tpu.memory_space<hbm>>)
      tpu.yield
    }) : () -> ()
    return
  }
}

#map = affine_map<(d0, d1) -> (0, 0)>
#map1 = affine_map<(d0, d1) -> (0, 0, 0)>
module attributes {stable_mosaic.version = 14 : i64} {
  func.func @agg2_kernel(%arg0: i32, %arg1: i32, %arg2: memref<10240x16xf32, #tpu.memory_space<hbm>>, %arg3: memref<32x80x128xi32, #tpu.memory_space<hbm>>, %arg4: memref<32x80x128xi32, #tpu.memory_space<hbm>>, %arg5: memref<10240x16xf32, #tpu.memory_space<hbm>>, %arg6: memref<2x10240x16xf32, #tpu.memory_space<hbm>>, %arg7: memref<80x128xi32, #tpu.memory_space<vmem>>, %arg8: memref<80x128xi32, #tpu.memory_space<vmem>>, %arg9: memref<128x16xf32, #tpu.memory_space<vmem>>, %arg10: memref<128x16xf32, #tpu.memory_space<vmem>>, %arg11: memref<10240x16xf32, #tpu.memory_space<vmem_shared>>, %arg12: memref<!tpu.dma_semaphore, #tpu.memory_space<semaphore_mem>>, %arg13: memref<!tpu.dma_semaphore, #tpu.memory_space<semaphore_mem>>) attributes {dimension_semantics = [#tpu.dimension_semantics<core_parallel>, #tpu.dimension_semantics<subcore_parallel>], iteration_bounds = array<i64: 2, 16>, scalar_prefetch = 0 : i64, scratch_operands = 7 : i64, tpu.core_type = #tpu.core_type<sc_vector_subcore>, window_params = [{transform_indices = #map}, {transform_indices = #map1}, {transform_indices = #map1}, {transform_indices = #map}, {transform_indices = #map1}]} {
    %mul3A = arith.constant 16 : i32
    %mul3A_0 = arith.muli %arg0, %mul3A : i32
    %add3A = arith.addi %mul3A_0, %arg1 : i32
    "tpu.region"() ({
      %run_scoped3A = tpu.sem_alloc : memref<!tpu.dma_semaphore, #tpu.memory_space<semaphore_mem>>
      %dma_start3A_14 = arith.constant 0 : i32
      %dma_start3A_15 = arith.constant 0 : i32
      %dma_start3A_16 = tpu.memref_slice %arg3[%add3A, %dma_start3A_14, %dma_start3A_15] : memref<32x80x128xi32, #tpu.memory_space<hbm>> -> memref<1x80x128xi32, #tpu.memory_space<hbm>>
      %dma_start3A_17 = tpu.memref_squeeze %dma_start3A_16 : memref<1x80x128xi32, #tpu.memory_space<hbm>> -> memref<80x128xi32, #tpu.memory_space<hbm>>
      %dma_start3A_18 = arith.constant 0 : i32
      %dma_start3A_19 = arith.constant 0 : i32
      %dma_start3A_20 = tpu.memref_slice %arg3[%add3A, %dma_start3A_18, %dma_start3A_19] : memref<32x80x128xi32, #tpu.memory_space<hbm>> -> memref<1x80x128xi32, #tpu.memory_space<hbm>>
      %dma_start3A_21 = tpu.memref_squeeze %dma_start3A_20 : memref<1x80x128xi32, #tpu.memory_space<hbm>> -> memref<80x128xi32, #tpu.memory_space<hbm>>
      tpu.enqueue_dma source(%dma_start3A_21 : memref<80x128xi32, #tpu.memory_space<hbm>>) target(%arg7 : memref<80x128xi32, #tpu.memory_space<vmem>>) target_semaphore(%run_scoped3A : memref<!tpu.dma_semaphore, #tpu.memory_space<semaphore_mem>>)
      %dma_wait3A = arith.constant 0 : i32
      %dma_wait3A_22 = arith.constant 0 : i32
      %dma_wait3A_23 = tpu.memref_slice %arg3[%add3A, %dma_wait3A, %dma_wait3A_22] : memref<32x80x128xi32, #tpu.memory_space<hbm>> -> memref<1x80x128xi32, #tpu.memory_space<hbm>>
      %dma_wait3A_24 = tpu.memref_squeeze %dma_wait3A_23 : memref<1x80x128xi32, #tpu.memory_space<hbm>> -> memref<80x128xi32, #tpu.memory_space<hbm>>
      %dma_wait3A_25 = arith.constant 0 : i32
      %dma_wait3A_26 = arith.constant 0 : i32
      %dma_wait3A_27 = tpu.memref_slice %arg3[%add3A, %dma_wait3A_25, %dma_wait3A_26] : memref<32x80x128xi32, #tpu.memory_space<hbm>> -> memref<1x80x128xi32, #tpu.memory_space<hbm>>
      %dma_wait3A_28 = tpu.memref_squeeze %dma_wait3A_27 : memref<1x80x128xi32, #tpu.memory_space<hbm>> -> memref<80x128xi32, #tpu.memory_space<hbm>>
      tpu.wait_dma2 semaphore(%run_scoped3A : memref<!tpu.dma_semaphore, #tpu.memory_space<semaphore_mem>>) src(%dma_wait3A_28 : memref<80x128xi32, #tpu.memory_space<hbm>>) dst(%arg7 : memref<80x128xi32, #tpu.memory_space<vmem>>)
      tpu.yield
    }) : () -> ()
    "tpu.region"() ({
      %run_scoped3A = tpu.sem_alloc : memref<!tpu.dma_semaphore, #tpu.memory_space<semaphore_mem>>
      %dma_start3A_14 = arith.constant 0 : i32
      %dma_start3A_15 = arith.constant 0 : i32
      %dma_start3A_16 = tpu.memref_slice %arg4[%add3A, %dma_start3A_14, %dma_start3A_15] : memref<32x80x128xi32, #tpu.memory_space<hbm>> -> memref<1x80x128xi32, #tpu.memory_space<hbm>>
      %dma_start3A_17 = tpu.memref_squeeze %dma_start3A_16 : memref<1x80x128xi32, #tpu.memory_space<hbm>> -> memref<80x128xi32, #tpu.memory_space<hbm>>
      %dma_start3A_18 = arith.constant 0 : i32
      %dma_start3A_19 = arith.constant 0 : i32
      %dma_start3A_20 = tpu.memref_slice %arg4[%add3A, %dma_start3A_18, %dma_start3A_19] : memref<32x80x128xi32, #tpu.memory_space<hbm>> -> memref<1x80x128xi32, #tpu.memory_space<hbm>>
      %dma_start3A_21 = tpu.memref_squeeze %dma_start3A_20 : memref<1x80x128xi32, #tpu.memory_space<hbm>> -> memref<80x128xi32, #tpu.memory_space<hbm>>
      tpu.enqueue_dma source(%dma_start3A_21 : memref<80x128xi32, #tpu.memory_space<hbm>>) target(%arg8 : memref<80x128xi32, #tpu.memory_space<vmem>>) target_semaphore(%run_scoped3A : memref<!tpu.dma_semaphore, #tpu.memory_space<semaphore_mem>>)
      %dma_wait3A = arith.constant 0 : i32
      %dma_wait3A_22 = arith.constant 0 : i32
      %dma_wait3A_23 = tpu.memref_slice %arg4[%add3A, %dma_wait3A, %dma_wait3A_22] : memref<32x80x128xi32, #tpu.memory_space<hbm>> -> memref<1x80x128xi32, #tpu.memory_space<hbm>>
      %dma_wait3A_24 = tpu.memref_squeeze %dma_wait3A_23 : memref<1x80x128xi32, #tpu.memory_space<hbm>> -> memref<80x128xi32, #tpu.memory_space<hbm>>
      %dma_wait3A_25 = arith.constant 0 : i32
      %dma_wait3A_26 = arith.constant 0 : i32
      %dma_wait3A_27 = tpu.memref_slice %arg4[%add3A, %dma_wait3A_25, %dma_wait3A_26] : memref<32x80x128xi32, #tpu.memory_space<hbm>> -> memref<1x80x128xi32, #tpu.memory_space<hbm>>
      %dma_wait3A_28 = tpu.memref_squeeze %dma_wait3A_27 : memref<1x80x128xi32, #tpu.memory_space<hbm>> -> memref<80x128xi32, #tpu.memory_space<hbm>>
      tpu.wait_dma2 semaphore(%run_scoped3A : memref<!tpu.dma_semaphore, #tpu.memory_space<semaphore_mem>>) src(%dma_wait3A_28 : memref<80x128xi32, #tpu.memory_space<hbm>>) dst(%arg8 : memref<80x128xi32, #tpu.memory_space<vmem>>)
      tpu.yield
    }) : () -> ()
    %mul3A_1 = arith.constant 640 : i32
    %mul3A_2 = arith.muli %arg1, %mul3A_1 : i32
    "tpu.region"() ({
      %run_scoped3A = tpu.sem_alloc : memref<!tpu.dma_semaphore, #tpu.memory_space<semaphore_mem>>
      %dma_start3A_14 = arith.constant 0 : i32
      %dma_start3A_15 = tpu.memref_slice %arg11[%mul3A_2, %dma_start3A_14] : memref<10240x16xf32, #tpu.memory_space<vmem_shared>> -> memref<640x16xf32, #tpu.memory_space<vmem_shared>>
      %dma_start3A_16 = arith.constant 0 : i32
      %dma_start3A_17 = tpu.memref_slice %arg5[%mul3A_2, %dma_start3A_16] : memref<10240x16xf32, #tpu.memory_space<hbm>> -> memref<640x16xf32, #tpu.memory_space<hbm>>
      tpu.enqueue_dma source(%dma_start3A_17 : memref<640x16xf32, #tpu.memory_space<hbm>>) target(%dma_start3A_15 : memref<640x16xf32, #tpu.memory_space<vmem_shared>>) target_semaphore(%run_scoped3A : memref<!tpu.dma_semaphore, #tpu.memory_space<semaphore_mem>>)
      %dma_wait3A = arith.constant 0 : i32
      %dma_wait3A_18 = tpu.memref_slice %arg11[%mul3A_2, %dma_wait3A] : memref<10240x16xf32, #tpu.memory_space<vmem_shared>> -> memref<640x16xf32, #tpu.memory_space<vmem_shared>>
      %dma_wait3A_19 = arith.constant 0 : i32
      %dma_wait3A_20 = tpu.memref_slice %arg5[%mul3A_2, %dma_wait3A_19] : memref<10240x16xf32, #tpu.memory_space<hbm>> -> memref<640x16xf32, #tpu.memory_space<hbm>>
      tpu.wait_dma2 semaphore(%run_scoped3A : memref<!tpu.dma_semaphore, #tpu.memory_space<semaphore_mem>>) src(%dma_wait3A_20 : memref<640x16xf32, #tpu.memory_space<hbm>>) dst(%dma_wait3A_18 : memref<640x16xf32, #tpu.memory_space<vmem_shared>>)
      tpu.yield
    }) : () -> ()
    %barrier3A = arith.constant 0 : index
    tpu.barrier barrier_id(%barrier3A)
    %dma_start3A = arith.constant 0 : i32
    %dma_start3A_3 = arith.constant 0 : i32
    %dma_start3A_4 = tpu.memref_slice %arg7[%dma_start3A, %dma_start3A_3] : memref<80x128xi32, #tpu.memory_space<vmem>> -> memref<1x128xi32, #tpu.memory_space<vmem>>
    %dma_start3A_5 = tpu.memref_squeeze %dma_start3A_4 : memref<1x128xi32, #tpu.memory_space<vmem>> -> memref<128xi32, #tpu.memory_space<vmem>>
    %dma_start3A_6 = arith.constant 0 : i32
    %dma_start3A_7 = arith.constant 0 : i32
    %dma_start3A_8 = tpu.memref_slice %arg2[%dma_start3A_6, %dma_start3A_7] : memref<10240x16xf32, #tpu.memory_space<hbm>> -> memref<10240x16xf32, #tpu.memory_space<hbm>>
    tpu.enqueue_indirect_dma source(%dma_start3A_8 : memref<10240x16xf32, #tpu.memory_space<hbm>>) target(%arg9 : memref<128x16xf32, #tpu.memory_space<vmem>>) offsets(%dma_start3A_5 : memref<128xi32, #tpu.memory_space<vmem>>) semaphore(%arg12 : memref<!tpu.dma_semaphore, #tpu.memory_space<semaphore_mem>>)
    %scan3A = arith.constant 0 : i32
    %scan3A_9 = arith.constant 40 : i32
    %scan3A_10 = arith.addi %scan3A, %scan3A_9 : i32
    %scan3A_11 = arith.constant 1 : i32
    scf.for %scan3A_14 = %scan3A to %scan3A_10 step %scan3A_11  : i32 {
      %mul3A_15 = arith.constant 2 : i32
      %mul3A_16 = arith.muli %scan3A_14, %mul3A_15 : i32
      %add3A_17 = arith.constant 0 : i32
      %add3A_18 = arith.addi %add3A_17, %mul3A_16 : i32
      %add3A_19 = arith.constant 1 : i32
      %add3A_20 = arith.addi %add3A_18, %add3A_19 : i32
      %dma_start3A_21 = arith.constant 0 : i32
      %dma_start3A_22 = tpu.memref_slice %arg7[%add3A_20, %dma_start3A_21] : memref<80x128xi32, #tpu.memory_space<vmem>> -> memref<1x128xi32, #tpu.memory_space<vmem>>
      %dma_start3A_23 = tpu.memref_squeeze %dma_start3A_22 : memref<1x128xi32, #tpu.memory_space<vmem>> -> memref<128xi32, #tpu.memory_space<vmem>>
      %dma_start3A_24 = arith.constant 0 : i32
      %dma_start3A_25 = arith.constant 0 : i32
      %dma_start3A_26 = tpu.memref_slice %arg2[%dma_start3A_24, %dma_start3A_25] : memref<10240x16xf32, #tpu.memory_space<hbm>> -> memref<10240x16xf32, #tpu.memory_space<hbm>>
      tpu.enqueue_indirect_dma source(%dma_start3A_26 : memref<10240x16xf32, #tpu.memory_space<hbm>>) target(%arg10 : memref<128x16xf32, #tpu.memory_space<vmem>>) offsets(%dma_start3A_23 : memref<128xi32, #tpu.memory_space<vmem>>) semaphore(%arg13 : memref<!tpu.dma_semaphore, #tpu.memory_space<semaphore_mem>>)
      %dma_wait3A = arith.constant 0 : i32
      %dma_wait3A_27 = tpu.memref_slice %arg7[%add3A_18, %dma_wait3A] : memref<80x128xi32, #tpu.memory_space<vmem>> -> memref<1x128xi32, #tpu.memory_space<vmem>>
      %dma_wait3A_28 = tpu.memref_squeeze %dma_wait3A_27 : memref<1x128xi32, #tpu.memory_space<vmem>> -> memref<128xi32, #tpu.memory_space<vmem>>
      %dma_wait3A_29 = arith.constant 0 : i32
      %dma_wait3A_30 = arith.constant 0 : i32
      %dma_wait3A_31 = tpu.memref_slice %arg2[%dma_wait3A_29, %dma_wait3A_30] : memref<10240x16xf32, #tpu.memory_space<hbm>> -> memref<10240x16xf32, #tpu.memory_space<hbm>>
      tpu.wait_indirect_dma semaphore(%arg12 : memref<!tpu.dma_semaphore, #tpu.memory_space<semaphore_mem>>) src(%dma_wait3A_31 : memref<10240x16xf32, #tpu.memory_space<hbm>>) dst(%arg9 : memref<128x16xf32, #tpu.memory_space<vmem>>)
      "tpu.region"() ({
        %run_scoped3A = tpu.sem_alloc : memref<!tpu.dma_semaphore, #tpu.memory_space<semaphore_mem>>
        %dma_start3A_46 = arith.constant 0 : i32
        %dma_start3A_47 = tpu.memref_slice %arg8[%add3A_18, %dma_start3A_46] : memref<80x128xi32, #tpu.memory_space<vmem>> -> memref<1x128xi32, #tpu.memory_space<vmem>>
        %dma_start3A_48 = tpu.memref_squeeze %dma_start3A_47 : memref<1x128xi32, #tpu.memory_space<vmem>> -> memref<128xi32, #tpu.memory_space<vmem>>
        %dma_start3A_49 = arith.constant 0 : i32
        %dma_start3A_50 = arith.constant 0 : i32
        %dma_start3A_51 = tpu.memref_slice %arg11[%dma_start3A_49, %dma_start3A_50] : memref<10240x16xf32, #tpu.memory_space<vmem_shared>> -> memref<10240x16xf32, #tpu.memory_space<vmem_shared>>
        tpu.enqueue_indirect_dma source(%arg9 : memref<128x16xf32, #tpu.memory_space<vmem>>) target(%dma_start3A_51 : memref<10240x16xf32, #tpu.memory_space<vmem_shared>>) offsets(%dma_start3A_48 : memref<128xi32, #tpu.memory_space<vmem>>) semaphore(%run_scoped3A : memref<!tpu.dma_semaphore, #tpu.memory_space<semaphore_mem>>) {add = true}
        %dma_wait3A_52 = arith.constant 0 : i32
        %dma_wait3A_53 = tpu.memref_slice %arg8[%add3A_18, %dma_wait3A_52] : memref<80x128xi32, #tpu.memory_space<vmem>> -> memref<1x128xi32, #tpu.memory_space<vmem>>
        %dma_wait3A_54 = tpu.memref_squeeze %dma_wait3A_53 : memref<1x128xi32, #tpu.memory_space<vmem>> -> memref<128xi32, #tpu.memory_space<vmem>>
        %dma_wait3A_55 = arith.constant 0 : i32
        %dma_wait3A_56 = arith.constant 0 : i32
        %dma_wait3A_57 = tpu.memref_slice %arg11[%dma_wait3A_55, %dma_wait3A_56] : memref<10240x16xf32, #tpu.memory_space<vmem_shared>> -> memref<10240x16xf32, #tpu.memory_space<vmem_shared>>
        tpu.wait_indirect_dma semaphore(%run_scoped3A : memref<!tpu.dma_semaphore, #tpu.memory_space<semaphore_mem>>) src(%arg9 : memref<128x16xf32, #tpu.memory_space<vmem>>) dst(%dma_wait3A_57 : memref<10240x16xf32, #tpu.memory_space<vmem_shared>>)
        tpu.yield
      }) : () -> ()
      %add3A_32 = arith.constant 2 : i32
      %add3A_33 = arith.addi %add3A_18, %add3A_32 : i32
      %lt3A = arith.constant 80 : i32
      %lt3A_34 = arith.cmpi slt, %add3A_33, %lt3A : i32
      %convert_element_type3A = arith.extui %lt3A_34 : i1 to i32
      %cond3A = arith.constant 0 : i32
      %cond3A_35 = arith.cmpi ne, %convert_element_type3A, %cond3A : i32
      scf.if %cond3A_35 {
        %add3A_46 = arith.constant 2 : i32
        %add3A_47 = arith.addi %add3A_18, %add3A_46 : i32
        %dma_start3A_48 = arith.constant 0 : i32
        %dma_start3A_49 = tpu.memref_slice %arg7[%add3A_47, %dma_start3A_48] : memref<80x128xi32, #tpu.memory_space<vmem>> -> memref<1x128xi32, #tpu.memory_space<vmem>>
        %dma_start3A_50 = tpu.memref_squeeze %dma_start3A_49 : memref<1x128xi32, #tpu.memory_space<vmem>> -> memref<128xi32, #tpu.memory_space<vmem>>
        %dma_start3A_51 = arith.constant 0 : i32
        %dma_start3A_52 = arith.constant 0 : i32
        %dma_start3A_53 = tpu.memref_slice %arg2[%dma_start3A_51, %dma_start3A_52] : memref<10240x16xf32, #tpu.memory_space<hbm>> -> memref<10240x16xf32, #tpu.memory_space<hbm>>
        tpu.enqueue_indirect_dma source(%dma_start3A_53 : memref<10240x16xf32, #tpu.memory_space<hbm>>) target(%arg9 : memref<128x16xf32, #tpu.memory_space<vmem>>) offsets(%dma_start3A_50 : memref<128xi32, #tpu.memory_space<vmem>>) semaphore(%arg12 : memref<!tpu.dma_semaphore, #tpu.memory_space<semaphore_mem>>)
      } else {
      }
      %add3A_36 = arith.constant 1 : i32
      %add3A_37 = arith.addi %add3A_18, %add3A_36 : i32
      %dma_wait3A_38 = arith.constant 0 : i32
      %dma_wait3A_39 = tpu.memref_slice %arg7[%add3A_37, %dma_wait3A_38] : memref<80x128xi32, #tpu.memory_space<vmem>> -> memref<1x128xi32, #tpu.memory_space<vmem>>
      %dma_wait3A_40 = tpu.memref_squeeze %dma_wait3A_39 : memref<1x128xi32, #tpu.memory_space<vmem>> -> memref<128xi32, #tpu.memory_space<vmem>>
      %dma_wait3A_41 = arith.constant 0 : i32
      %dma_wait3A_42 = arith.constant 0 : i32
      %dma_wait3A_43 = tpu.memref_slice %arg2[%dma_wait3A_41, %dma_wait3A_42] : memref<10240x16xf32, #tpu.memory_space<hbm>> -> memref<10240x16xf32, #tpu.memory_space<hbm>>
      tpu.wait_indirect_dma semaphore(%arg13 : memref<!tpu.dma_semaphore, #tpu.memory_space<semaphore_mem>>) src(%dma_wait3A_43 : memref<10240x16xf32, #tpu.memory_space<hbm>>) dst(%arg10 : memref<128x16xf32, #tpu.memory_space<vmem>>)
      %add3A_44 = arith.constant 1 : i32
      %add3A_45 = arith.addi %add3A_18, %add3A_44 : i32
      "tpu.region"() ({
        %run_scoped3A = tpu.sem_alloc : memref<!tpu.dma_semaphore, #tpu.memory_space<semaphore_mem>>
        %dma_start3A_46 = arith.constant 0 : i32
        %dma_start3A_47 = tpu.memref_slice %arg8[%add3A_45, %dma_start3A_46] : memref<80x128xi32, #tpu.memory_space<vmem>> -> memref<1x128xi32, #tpu.memory_space<vmem>>
        %dma_start3A_48 = tpu.memref_squeeze %dma_start3A_47 : memref<1x128xi32, #tpu.memory_space<vmem>> -> memref<128xi32, #tpu.memory_space<vmem>>
        %dma_start3A_49 = arith.constant 0 : i32
        %dma_start3A_50 = arith.constant 0 : i32
        %dma_start3A_51 = tpu.memref_slice %arg11[%dma_start3A_49, %dma_start3A_50] : memref<10240x16xf32, #tpu.memory_space<vmem_shared>> -> memref<10240x16xf32, #tpu.memory_space<vmem_shared>>
        tpu.enqueue_indirect_dma source(%arg10 : memref<128x16xf32, #tpu.memory_space<vmem>>) target(%dma_start3A_51 : memref<10240x16xf32, #tpu.memory_space<vmem_shared>>) offsets(%dma_start3A_48 : memref<128xi32, #tpu.memory_space<vmem>>) semaphore(%run_scoped3A : memref<!tpu.dma_semaphore, #tpu.memory_space<semaphore_mem>>) {add = true}
        %dma_wait3A_52 = arith.constant 0 : i32
        %dma_wait3A_53 = tpu.memref_slice %arg8[%add3A_45, %dma_wait3A_52] : memref<80x128xi32, #tpu.memory_space<vmem>> -> memref<1x128xi32, #tpu.memory_space<vmem>>
        %dma_wait3A_54 = tpu.memref_squeeze %dma_wait3A_53 : memref<1x128xi32, #tpu.memory_space<vmem>> -> memref<128xi32, #tpu.memory_space<vmem>>
        %dma_wait3A_55 = arith.constant 0 : i32
        %dma_wait3A_56 = arith.constant 0 : i32
        %dma_wait3A_57 = tpu.memref_slice %arg11[%dma_wait3A_55, %dma_wait3A_56] : memref<10240x16xf32, #tpu.memory_space<vmem_shared>> -> memref<10240x16xf32, #tpu.memory_space<vmem_shared>>
        tpu.wait_indirect_dma semaphore(%run_scoped3A : memref<!tpu.dma_semaphore, #tpu.memory_space<semaphore_mem>>) src(%arg10 : memref<128x16xf32, #tpu.memory_space<vmem>>) dst(%dma_wait3A_57 : memref<10240x16xf32, #tpu.memory_space<vmem_shared>>)
        tpu.yield
      }) : () -> ()
    }
    %scan3A_12 = arith.constant 40 : i32
    %barrier3A_13 = arith.constant 0 : index
    tpu.barrier barrier_id(%barrier3A_13)
    "tpu.region"() ({
      %run_scoped3A = tpu.sem_alloc : memref<!tpu.dma_semaphore, #tpu.memory_space<semaphore_mem>>
      %dma_start3A_14 = arith.constant 0 : i32
      %dma_start3A_15 = tpu.memref_slice %arg6[%arg0, %mul3A_2, %dma_start3A_14] : memref<2x10240x16xf32, #tpu.memory_space<hbm>> -> memref<1x640x16xf32, #tpu.memory_space<hbm>>
      %dma_start3A_16 = tpu.memref_squeeze %dma_start3A_15 : memref<1x640x16xf32, #tpu.memory_space<hbm>> -> memref<640x16xf32, #tpu.memory_space<hbm>>
      %dma_start3A_17 = arith.constant 0 : i32
      %dma_start3A_18 = tpu.memref_slice %arg11[%mul3A_2, %dma_start3A_17] : memref<10240x16xf32, #tpu.memory_space<vmem_shared>> -> memref<640x16xf32, #tpu.memory_space<vmem_shared>>
      tpu.enqueue_dma source(%dma_start3A_18 : memref<640x16xf32, #tpu.memory_space<vmem_shared>>) target(%dma_start3A_16 : memref<640x16xf32, #tpu.memory_space<hbm>>) target_semaphore(%run_scoped3A : memref<!tpu.dma_semaphore, #tpu.memory_space<semaphore_mem>>)
      %dma_wait3A = arith.constant 0 : i32
      %dma_wait3A_19 = tpu.memref_slice %arg6[%arg0, %mul3A_2, %dma_wait3A] : memref<2x10240x16xf32, #tpu.memory_space<hbm>> -> memref<1x640x16xf32, #tpu.memory_space<hbm>>
      %dma_wait3A_20 = tpu.memref_squeeze %dma_wait3A_19 : memref<1x640x16xf32, #tpu.memory_space<hbm>> -> memref<640x16xf32, #tpu.memory_space<hbm>>
      %dma_wait3A_21 = arith.constant 0 : i32
      %dma_wait3A_22 = tpu.memref_slice %arg11[%mul3A_2, %dma_wait3A_21] : memref<10240x16xf32, #tpu.memory_space<vmem_shared>> -> memref<640x16xf32, #tpu.memory_space<vmem_shared>>
      tpu.wait_dma2 semaphore(%run_scoped3A : memref<!tpu.dma_semaphore, #tpu.memory_space<semaphore_mem>>) src(%dma_wait3A_22 : memref<640x16xf32, #tpu.memory_space<vmem_shared>>) dst(%dma_wait3A_20 : memref<640x16xf32, #tpu.memory_space<hbm>>)
      tpu.yield
    }) : () -> ()
    return
  }
}

#map = affine_map<(d0, d1) -> (0, 0, 0)>
#map1 = affine_map<(d0, d1) -> (0, 0)>
module attributes {stable_mosaic.version = 14 : i64} {
  func.func @deg_kernel(%arg0: i32, %arg1: i32, %arg2: memref<32x80x128xi32, #tpu.memory_space<hbm>>, %arg3: memref<128x16xf32, #tpu.memory_space<hbm>>, %arg4: memref<10240x16xf32, #tpu.memory_space<hbm>>, %arg5: memref<2x10240x16xf32, #tpu.memory_space<hbm>>, %arg6: memref<80x128xi32, #tpu.memory_space<vmem>>, %arg7: memref<128x16xf32, #tpu.memory_space<vmem>>, %arg8: memref<10240x16xf32, #tpu.memory_space<vmem_shared>>) attributes {dimension_semantics = [#tpu.dimension_semantics<core_parallel>, #tpu.dimension_semantics<subcore_parallel>], iteration_bounds = array<i64: 2, 16>, scalar_prefetch = 0 : i64, scratch_operands = 3 : i64, tpu.core_type = #tpu.core_type<sc_vector_subcore>, window_params = [{transform_indices = #map}, {transform_indices = #map1}, {transform_indices = #map1}, {transform_indices = #map}]} {
    %mul3A = arith.constant 16 : i32
    %mul3A_0 = arith.muli %arg0, %mul3A : i32
    %add3A = arith.addi %mul3A_0, %arg1 : i32
    "tpu.region"() ({
      %run_scoped3A = tpu.sem_alloc : memref<!tpu.dma_semaphore, #tpu.memory_space<semaphore_mem>>
      %dma_start3A = arith.constant 0 : i32
      %dma_start3A_8 = arith.constant 0 : i32
      %dma_start3A_9 = tpu.memref_slice %arg2[%add3A, %dma_start3A, %dma_start3A_8] : memref<32x80x128xi32, #tpu.memory_space<hbm>> -> memref<1x80x128xi32, #tpu.memory_space<hbm>>
      %dma_start3A_10 = tpu.memref_squeeze %dma_start3A_9 : memref<1x80x128xi32, #tpu.memory_space<hbm>> -> memref<80x128xi32, #tpu.memory_space<hbm>>
      %dma_start3A_11 = arith.constant 0 : i32
      %dma_start3A_12 = arith.constant 0 : i32
      %dma_start3A_13 = tpu.memref_slice %arg2[%add3A, %dma_start3A_11, %dma_start3A_12] : memref<32x80x128xi32, #tpu.memory_space<hbm>> -> memref<1x80x128xi32, #tpu.memory_space<hbm>>
      %dma_start3A_14 = tpu.memref_squeeze %dma_start3A_13 : memref<1x80x128xi32, #tpu.memory_space<hbm>> -> memref<80x128xi32, #tpu.memory_space<hbm>>
      tpu.enqueue_dma source(%dma_start3A_14 : memref<80x128xi32, #tpu.memory_space<hbm>>) target(%arg6 : memref<80x128xi32, #tpu.memory_space<vmem>>) target_semaphore(%run_scoped3A : memref<!tpu.dma_semaphore, #tpu.memory_space<semaphore_mem>>)
      %dma_wait3A = arith.constant 0 : i32
      %dma_wait3A_15 = arith.constant 0 : i32
      %dma_wait3A_16 = tpu.memref_slice %arg2[%add3A, %dma_wait3A, %dma_wait3A_15] : memref<32x80x128xi32, #tpu.memory_space<hbm>> -> memref<1x80x128xi32, #tpu.memory_space<hbm>>
      %dma_wait3A_17 = tpu.memref_squeeze %dma_wait3A_16 : memref<1x80x128xi32, #tpu.memory_space<hbm>> -> memref<80x128xi32, #tpu.memory_space<hbm>>
      %dma_wait3A_18 = arith.constant 0 : i32
      %dma_wait3A_19 = arith.constant 0 : i32
      %dma_wait3A_20 = tpu.memref_slice %arg2[%add3A, %dma_wait3A_18, %dma_wait3A_19] : memref<32x80x128xi32, #tpu.memory_space<hbm>> -> memref<1x80x128xi32, #tpu.memory_space<hbm>>
      %dma_wait3A_21 = tpu.memref_squeeze %dma_wait3A_20 : memref<1x80x128xi32, #tpu.memory_space<hbm>> -> memref<80x128xi32, #tpu.memory_space<hbm>>
      tpu.wait_dma2 semaphore(%run_scoped3A : memref<!tpu.dma_semaphore, #tpu.memory_space<semaphore_mem>>) src(%dma_wait3A_21 : memref<80x128xi32, #tpu.memory_space<hbm>>) dst(%arg6 : memref<80x128xi32, #tpu.memory_space<vmem>>)
      tpu.yield
    }) : () -> ()
    "tpu.region"() ({
      %run_scoped3A = tpu.sem_alloc : memref<!tpu.dma_semaphore, #tpu.memory_space<semaphore_mem>>
      tpu.enqueue_dma source(%arg3 : memref<128x16xf32, #tpu.memory_space<hbm>>) target(%arg7 : memref<128x16xf32, #tpu.memory_space<vmem>>) target_semaphore(%run_scoped3A : memref<!tpu.dma_semaphore, #tpu.memory_space<semaphore_mem>>)
      tpu.wait_dma2 semaphore(%run_scoped3A : memref<!tpu.dma_semaphore, #tpu.memory_space<semaphore_mem>>) src(%arg3 : memref<128x16xf32, #tpu.memory_space<hbm>>) dst(%arg7 : memref<128x16xf32, #tpu.memory_space<vmem>>)
      tpu.yield
    }) : () -> ()
    %mul3A_1 = arith.constant 640 : i32
    %mul3A_2 = arith.muli %arg1, %mul3A_1 : i32
    "tpu.region"() ({
      %run_scoped3A = tpu.sem_alloc : memref<!tpu.dma_semaphore, #tpu.memory_space<semaphore_mem>>
      %dma_start3A = arith.constant 0 : i32
      %dma_start3A_8 = tpu.memref_slice %arg8[%mul3A_2, %dma_start3A] : memref<10240x16xf32, #tpu.memory_space<vmem_shared>> -> memref<640x16xf32, #tpu.memory_space<vmem_shared>>
      %dma_start3A_9 = arith.constant 0 : i32
      %dma_start3A_10 = tpu.memref_slice %arg4[%mul3A_2, %dma_start3A_9] : memref<10240x16xf32, #tpu.memory_space<hbm>> -> memref<640x16xf32, #tpu.memory_space<hbm>>
      tpu.enqueue_dma source(%dma_start3A_10 : memref<640x16xf32, #tpu.memory_space<hbm>>) target(%dma_start3A_8 : memref<640x16xf32, #tpu.memory_space<vmem_shared>>) target_semaphore(%run_scoped3A : memref<!tpu.dma_semaphore, #tpu.memory_space<semaphore_mem>>)
      %dma_wait3A = arith.constant 0 : i32
      %dma_wait3A_11 = tpu.memref_slice %arg8[%mul3A_2, %dma_wait3A] : memref<10240x16xf32, #tpu.memory_space<vmem_shared>> -> memref<640x16xf32, #tpu.memory_space<vmem_shared>>
      %dma_wait3A_12 = arith.constant 0 : i32
      %dma_wait3A_13 = tpu.memref_slice %arg4[%mul3A_2, %dma_wait3A_12] : memref<10240x16xf32, #tpu.memory_space<hbm>> -> memref<640x16xf32, #tpu.memory_space<hbm>>
      tpu.wait_dma2 semaphore(%run_scoped3A : memref<!tpu.dma_semaphore, #tpu.memory_space<semaphore_mem>>) src(%dma_wait3A_13 : memref<640x16xf32, #tpu.memory_space<hbm>>) dst(%dma_wait3A_11 : memref<640x16xf32, #tpu.memory_space<vmem_shared>>)
      tpu.yield
    }) : () -> ()
    %barrier3A = arith.constant 0 : index
    tpu.barrier barrier_id(%barrier3A)
    %scan3A = arith.constant 0 : i32
    %scan3A_3 = arith.constant 80 : i32
    %scan3A_4 = arith.addi %scan3A, %scan3A_3 : i32
    %scan3A_5 = arith.constant 1 : i32
    scf.for %scan3A_8 = %scan3A to %scan3A_4 step %scan3A_5  : i32 {
      %mul3A_9 = arith.constant 1 : i32
      %mul3A_10 = arith.muli %scan3A_8, %mul3A_9 : i32
      %add3A_11 = arith.constant 0 : i32
      %add3A_12 = arith.addi %add3A_11, %mul3A_10 : i32
      "tpu.region"() ({
        %run_scoped3A = tpu.sem_alloc : memref<!tpu.dma_semaphore, #tpu.memory_space<semaphore_mem>>
        %dma_start3A = arith.constant 0 : i32
        %dma_start3A_13 = tpu.memref_slice %arg6[%add3A_12, %dma_start3A] : memref<80x128xi32, #tpu.memory_space<vmem>> -> memref<1x128xi32, #tpu.memory_space<vmem>>
        %dma_start3A_14 = tpu.memref_squeeze %dma_start3A_13 : memref<1x128xi32, #tpu.memory_space<vmem>> -> memref<128xi32, #tpu.memory_space<vmem>>
        %dma_start3A_15 = arith.constant 0 : i32
        %dma_start3A_16 = arith.constant 0 : i32
        %dma_start3A_17 = tpu.memref_slice %arg8[%dma_start3A_15, %dma_start3A_16] : memref<10240x16xf32, #tpu.memory_space<vmem_shared>> -> memref<10240x16xf32, #tpu.memory_space<vmem_shared>>
        tpu.enqueue_indirect_dma source(%arg7 : memref<128x16xf32, #tpu.memory_space<vmem>>) target(%dma_start3A_17 : memref<10240x16xf32, #tpu.memory_space<vmem_shared>>) offsets(%dma_start3A_14 : memref<128xi32, #tpu.memory_space<vmem>>) semaphore(%run_scoped3A : memref<!tpu.dma_semaphore, #tpu.memory_space<semaphore_mem>>) {add = true}
        %dma_wait3A = arith.constant 0 : i32
        %dma_wait3A_18 = tpu.memref_slice %arg6[%add3A_12, %dma_wait3A] : memref<80x128xi32, #tpu.memory_space<vmem>> -> memref<1x128xi32, #tpu.memory_space<vmem>>
        %dma_wait3A_19 = tpu.memref_squeeze %dma_wait3A_18 : memref<1x128xi32, #tpu.memory_space<vmem>> -> memref<128xi32, #tpu.memory_space<vmem>>
        %dma_wait3A_20 = arith.constant 0 : i32
        %dma_wait3A_21 = arith.constant 0 : i32
        %dma_wait3A_22 = tpu.memref_slice %arg8[%dma_wait3A_20, %dma_wait3A_21] : memref<10240x16xf32, #tpu.memory_space<vmem_shared>> -> memref<10240x16xf32, #tpu.memory_space<vmem_shared>>
        tpu.wait_indirect_dma semaphore(%run_scoped3A : memref<!tpu.dma_semaphore, #tpu.memory_space<semaphore_mem>>) src(%arg7 : memref<128x16xf32, #tpu.memory_space<vmem>>) dst(%dma_wait3A_22 : memref<10240x16xf32, #tpu.memory_space<vmem_shared>>)
        tpu.yield
      }) : () -> ()
    }
    %scan3A_6 = arith.constant 80 : i32
    %barrier3A_7 = arith.constant 0 : index
    tpu.barrier barrier_id(%barrier3A_7)
    "tpu.region"() ({
      %run_scoped3A = tpu.sem_alloc : memref<!tpu.dma_semaphore, #tpu.memory_space<semaphore_mem>>
      %dma_start3A = arith.constant 0 : i32
      %dma_start3A_8 = tpu.memref_slice %arg5[%arg0, %mul3A_2, %dma_start3A] : memref<2x10240x16xf32, #tpu.memory_space<hbm>> -> memref<1x640x16xf32, #tpu.memory_space<hbm>>
      %dma_start3A_9 = tpu.memref_squeeze %dma_start3A_8 : memref<1x640x16xf32, #tpu.memory_space<hbm>> -> memref<640x16xf32, #tpu.memory_space<hbm>>
      %dma_start3A_10 = arith.constant 0 : i32
      %dma_start3A_11 = tpu.memref_slice %arg8[%mul3A_2, %dma_start3A_10] : memref<10240x16xf32, #tpu.memory_space<vmem_shared>> -> memref<640x16xf32, #tpu.memory_space<vmem_shared>>
      tpu.enqueue_dma source(%dma_start3A_11 : memref<640x16xf32, #tpu.memory_space<vmem_shared>>) target(%dma_start3A_9 : memref<640x16xf32, #tpu.memory_space<hbm>>) target_semaphore(%run_scoped3A : memref<!tpu.dma_semaphore, #tpu.memory_space<semaphore_mem>>)
      %dma_wait3A = arith.constant 0 : i32
      %dma_wait3A_12 = tpu.memref_slice %arg5[%arg0, %mul3A_2, %dma_wait3A] : memref<2x10240x16xf32, #tpu.memory_space<hbm>> -> memref<1x640x16xf32, #tpu.memory_space<hbm>>
      %dma_wait3A_13 = tpu.memref_squeeze %dma_wait3A_12 : memref<1x640x16xf32, #tpu.memory_space<hbm>> -> memref<640x16xf32, #tpu.memory_space<hbm>>
      %dma_wait3A_14 = arith.constant 0 : i32
      %dma_wait3A_15 = tpu.memref_slice %arg8[%mul3A_2, %dma_wait3A_14] : memref<10240x16xf32, #tpu.memory_space<vmem_shared>> -> memref<640x16xf32, #tpu.memory_space<vmem_shared>>
      tpu.wait_dma2 semaphore(%run_scoped3A : memref<!tpu.dma_semaphore, #tpu.memory_space<semaphore_mem>>) src(%dma_wait3A_15 : memref<640x16xf32, #tpu.memory_space<vmem_shared>>) dst(%dma_wait3A_13 : memref<640x16xf32, #tpu.memory_space<hbm>>)
      tpu.yield
    }) : () -> ()
    return
  }
}

module attributes {stable_mosaic.version = 14 : i64} {
  func.func @body(%arg0: i32, %arg1: i32, %arg2: memref<1024x128xf32, #tpu.memory_space<vmem>>, %arg3: memref<1x128x64xf32, #tpu.memory_space<vmem>>, %arg4: memref<2x1024x16xf32, #tpu.memory_space<vmem>>, %arg5: memref<1024x64xf32, #tpu.memory_space<vmem>>) attributes {dimension_semantics = [#tpu.dimension_semantics<arbitrary>, #tpu.dimension_semantics<arbitrary>], iteration_bounds = array<i64: 2, 10>, scalar_prefetch = 0 : i64, scratch_operands = 0 : i64, tpu.core_type = #tpu.core_type<tc>, window_params = [{transform_indices = @transform_0, window_bounds = array<i64: 1024, 128>}, {transform_indices = @transform_1, window_bounds = array<i64: 1, 128, 64>}, {transform_indices = @transform_2, window_bounds = array<i64: 2, 1024, 16>}, {transform_indices = @transform_3, window_bounds = array<i64: 1024, 64>}]} {
    %get3A = arith.constant 0 : index
    %get3A_0 = arith.constant 0 : index
    %get3A_1 = arith.constant 0 : index
    %get3A_2 = vector.load %arg4[%get3A, %get3A_0, %get3A_1] : memref<2x1024x16xf32, #tpu.memory_space<vmem>>, vector<1x1024x1xf32>
    %get3A_3 = vector.shape_cast %get3A_2 : vector<1x1024x1xf32> to vector<1024x1xf32>
    %get3A_4 = arith.constant 1 : index
    %get3A_5 = arith.constant 0 : index
    %get3A_6 = arith.constant 0 : index
    %get3A_7 = vector.load %arg4[%get3A_4, %get3A_5, %get3A_6] : memref<2x1024x16xf32, #tpu.memory_space<vmem>>, vector<1x1024x1xf32>
    %get3A_8 = vector.shape_cast %get3A_7 : vector<1x1024x1xf32> to vector<1024x1xf32>
    %add3A = arith.addf %get3A_3, %get3A_8 : vector<1024x1xf32>
    %add3A_9 = arith.constant 1.000000e+00 : f32
    %add3A_10 = vector.broadcast %add3A_9 : f32 to vector<1024x1xf32>
    %add3A_11 = arith.addf %add3A, %add3A_10 : vector<1024x1xf32>
    %rsqrt3A = math.rsqrt %add3A_11 : vector<1024x1xf32>
    %get3A_12 = arith.constant 0 : index
    %get3A_13 = arith.constant 0 : index
    %get3A_14 = vector.load %arg2[%get3A_12, %get3A_13] : memref<1024x128xf32, #tpu.memory_space<vmem>>, vector<1024x128xf32>
    %get3A_15 = arith.constant 0 : index
    %get3A_16 = arith.constant 0 : index
    %get3A_17 = arith.constant 0 : index
    %get3A_18 = vector.load %arg3[%get3A_15, %get3A_16, %get3A_17] : memref<1x128x64xf32, #tpu.memory_space<vmem>>, vector<1x128x64xf32>
    %get3A_19 = vector.shape_cast %get3A_18 : vector<1x128x64xf32> to vector<128x64xf32>
    %dot_general3A = arith.constant dense<0.000000e+00> : vector<1024x64xf32>
    %dot_general3A_20 = tpu.matmul %get3A_14, %get3A_19, %dot_general3A {dimension_numbers = #tpu.dot_dimension_numbers<[1], [0], [0], [1], [0, 0, 1, 1], [], []>, transpose_lhs_hint = false} : vector<1024x128xf32>, vector<128x64xf32>, vector<1024x64xf32> -> vector<1024x64xf32>
    %mul3A = vector.broadcast %rsqrt3A : vector<1024x1xf32> to vector<1024x64xf32>
    %mul3A_21 = arith.mulf %mul3A, %dot_general3A_20 : vector<1024x64xf32>
    %swap3A = arith.constant 0 : index
    %swap3A_22 = arith.constant 0 : index
    %swap3A_23 = vector.load %arg5[%swap3A, %swap3A_22] : memref<1024x64xf32, #tpu.memory_space<vmem>>, vector<1024x64xf32>
    tpu.vector_store %arg5[%swap3A, %swap3A_22], %mul3A_21 {strides = array<i32>} : memref<1024x64xf32, #tpu.memory_space<vmem>>, vector<1024x64xf32>,
    return
  }
  func.func @transform_0(%arg0: i32, %arg1: i32) -> (i32, i32) {
    %c0_i32 = arith.constant 0 : i32
    %c0_i32_0 = arith.constant 0 : i32
    return %arg1, %c0_i32 : i32, i32
  }
  func.func @transform_1(%arg0: i32, %arg1: i32) -> (i32, i32, i32) {
    %c0_i32 = arith.constant 0 : i32
    %c0_i32_0 = arith.constant 0 : i32
    %c0_i32_1 = arith.constant 0 : i32
    return %arg0, %c0_i32, %c0_i32_0 : i32, i32, i32
  }
  func.func @transform_2(%arg0: i32, %arg1: i32) -> (i32, i32, i32) {
    %c0_i32 = arith.constant 0 : i32
    %c0_i32_0 = arith.constant 0 : i32
    %c0_i32_1 = arith.constant 0 : i32
    return %c0_i32, %arg1, %c0_i32_0 : i32, i32, i32
  }
  func.func @transform_3(%arg0: i32, %arg1: i32) -> (i32, i32) {
    %mul3A = arith.constant 10 : i32
    %mul3A_0 = arith.muli %arg0, %mul3A : i32
    %add3A = arith.addi %mul3A_0, %arg1 : i32
    %c0_i32 = arith.constant 0 : i32
    %c0_i32_1 = arith.constant 0 : i32
    return %add3A, %c0_i32 : i32, i32
  }
}

module attributes {stable_mosaic.version = 14 : i64} {
  func.func @body(%arg0: i32, %arg1: memref<1x1024x64xf32, #tpu.memory_space<vmem>>, %arg2: memref<1x1024x64xf32, #tpu.memory_space<vmem>>, %arg3: memref<1024x64xf32, #tpu.memory_space<vmem>>, %arg4: memref<1024x64xf32, #tpu.memory_space<vmem>>, %arg5: memref<2x1024x16xf32, #tpu.memory_space<vmem>>, %arg6: memref<1x128xf32, #tpu.memory_space<vmem>>, %arg7: memref<128x16xf32, #tpu.memory_space<vmem>>, %arg8: memref<1024x16xf32, #tpu.memory_space<vmem>>) attributes {dimension_semantics = [#tpu.dimension_semantics<arbitrary>], iteration_bounds = array<i64: 10>, scalar_prefetch = 0 : i64, scratch_operands = 0 : i64, tpu.core_type = #tpu.core_type<tc>, window_params = [{transform_indices = @transform_0, window_bounds = array<i64: 1, 1024, 64>}, {transform_indices = @transform_1, window_bounds = array<i64: 1, 1024, 64>}, {transform_indices = @transform_2, window_bounds = array<i64: 1024, 64>}, {transform_indices = @transform_3, window_bounds = array<i64: 1024, 64>}, {transform_indices = @transform_4, window_bounds = array<i64: 2, 1024, 16>}, {pipeline_mode = #tpu.pipeline_mode<synchronous>, transform_indices = @transform_5, window_bounds = array<i64: 1, 128>}, {pipeline_mode = #tpu.pipeline_mode<synchronous>, transform_indices = @transform_6, window_bounds = array<i64: 128, 16>}, {transform_indices = @transform_7, window_bounds = array<i64: 1024, 16>}]} {
    %get3A = arith.constant 0 : index
    %get3A_0 = arith.constant 0 : index
    %get3A_1 = arith.constant 0 : index
    %get3A_2 = vector.load %arg5[%get3A, %get3A_0, %get3A_1] : memref<2x1024x16xf32, #tpu.memory_space<vmem>>, vector<1x1024x1xf32>
    %get3A_3 = vector.shape_cast %get3A_2 : vector<1x1024x1xf32> to vector<1024x1xf32>
    %get3A_4 = arith.constant 1 : index
    %get3A_5 = arith.constant 0 : index
    %get3A_6 = arith.constant 0 : index
    %get3A_7 = vector.load %arg5[%get3A_4, %get3A_5, %get3A_6] : memref<2x1024x16xf32, #tpu.memory_space<vmem>>, vector<1x1024x1xf32>
    %get3A_8 = vector.shape_cast %get3A_7 : vector<1x1024x1xf32> to vector<1024x1xf32>
    %add3A = arith.addf %get3A_3, %get3A_8 : vector<1024x1xf32>
    %add3A_9 = arith.constant 1.000000e+00 : f32
    %add3A_10 = vector.broadcast %add3A_9 : f32 to vector<1024x1xf32>
    %add3A_11 = arith.addf %add3A, %add3A_10 : vector<1024x1xf32>
    %rsqrt3A = math.rsqrt %add3A_11 : vector<1024x1xf32>
    %get3A_12 = arith.constant 0 : index
    %get3A_13 = arith.constant 0 : index
    %get3A_14 = arith.constant 0 : index
    %get3A_15 = vector.load %arg1[%get3A_12, %get3A_13, %get3A_14] : memref<1x1024x64xf32, #tpu.memory_space<vmem>>, vector<1x1024x64xf32>
    %get3A_16 = vector.shape_cast %get3A_15 : vector<1x1024x64xf32> to vector<1024x64xf32>
    %get3A_17 = arith.constant 0 : index
    %get3A_18 = arith.constant 0 : index
    %get3A_19 = vector.load %arg3[%get3A_17, %get3A_18] : memref<1024x64xf32, #tpu.memory_space<vmem>>, vector<1024x64xf32>
    %add3A_20 = arith.addf %get3A_16, %get3A_19 : vector<1024x64xf32>
    %get3A_21 = arith.constant 0 : index
    %get3A_22 = arith.constant 0 : index
    %get3A_23 = arith.constant 0 : index
    %get3A_24 = vector.load %arg2[%get3A_21, %get3A_22, %get3A_23] : memref<1x1024x64xf32, #tpu.memory_space<vmem>>, vector<1x1024x64xf32>
    %get3A_25 = vector.shape_cast %get3A_24 : vector<1x1024x64xf32> to vector<1024x64xf32>
    %get3A_26 = arith.constant 0 : index
    %get3A_27 = arith.constant 0 : index
    %get3A_28 = vector.load %arg4[%get3A_26, %get3A_27] : memref<1024x64xf32, #tpu.memory_space<vmem>>, vector<1024x64xf32>
    %add3A_29 = arith.addf %get3A_25, %get3A_28 : vector<1024x64xf32>
    %concatenate3A = tpu.concatenate %add3A_20, %add3A_29 in 1 : vector<1024x64xf32>, vector<1024x64xf32> -> vector<1024x128xf32>
    %mul3A = vector.broadcast %rsqrt3A : vector<1024x1xf32> to vector<1024x128xf32>
    %mul3A_30 = arith.mulf %mul3A, %concatenate3A : vector<1024x128xf32>
    %get3A_31 = arith.constant 0 : index
    %get3A_32 = arith.constant 0 : index
    %get3A_33 = vector.load %arg6[%get3A_31, %get3A_32] : memref<1x128xf32, #tpu.memory_space<vmem>>, vector<1x128xf32>
    %add3A_34 = vector.broadcast %get3A_33 : vector<1x128xf32> to vector<1024x128xf32>
    %add3A_35 = arith.addf %mul3A_30, %add3A_34 : vector<1024x128xf32>
    %max3A = arith.constant 0.000000e+00 : f32
    %max3A_36 = vector.broadcast %max3A : f32 to vector<1024x128xf32>
    %max3A_37 = arith.maximumf %add3A_35, %max3A_36 : vector<1024x128xf32>
    %get3A_38 = arith.constant 0 : index
    %get3A_39 = arith.constant 0 : index
    %get3A_40 = vector.load %arg7[%get3A_38, %get3A_39] : memref<128x16xf32, #tpu.memory_space<vmem>>, vector<128x16xf32>
    %dot_general3A = arith.constant dense<0.000000e+00> : vector<1024x16xf32>
    %dot_general3A_41 = tpu.matmul %max3A_37, %get3A_40, %dot_general3A {dimension_numbers = #tpu.dot_dimension_numbers<[1], [0], [0], [1], [0, 0, 1, 1], [], []>, transpose_lhs_hint = false} : vector<1024x128xf32>, vector<128x16xf32>, vector<1024x16xf32> -> vector<1024x16xf32>
    %mul3A_42 = vector.broadcast %rsqrt3A : vector<1024x1xf32> to vector<1024x16xf32>
    %mul3A_43 = arith.mulf %mul3A_42, %dot_general3A_41 : vector<1024x16xf32>
    %swap3A = arith.constant 0 : index
    %swap3A_44 = arith.constant 0 : index
    %swap3A_45 = vector.load %arg8[%swap3A, %swap3A_44] : memref<1024x16xf32, #tpu.memory_space<vmem>>, vector<1024x16xf32>
    tpu.vector_store %arg8[%swap3A, %swap3A_44], %mul3A_43 {strides = array<i32>} : memref<1024x16xf32, #tpu.memory_space<vmem>>, vector<1024x16xf32>,
    return
  }
  func.func @transform_0(%arg0: i32) -> (i32, i32, i32) {
    %c0_i32 = arith.constant 0 : i32
    %c0_i32_0 = arith.constant 0 : i32
    %c0_i32_1 = arith.constant 0 : i32
    return %c0_i32, %arg0, %c0_i32_0 : i32, i32, i32
  }
  func.func @transform_1(%arg0: i32) -> (i32, i32, i32) {
    %c1_i32 = arith.constant 1 : i32
    %c0_i32 = arith.constant 0 : i32
    %c0_i32_0 = arith.constant 0 : i32
    return %c1_i32, %arg0, %c0_i32 : i32, i32, i32
  }
  func.func @transform_2(%arg0: i32) -> (i32, i32) {
    %c0_i32 = arith.constant 0 : i32
    %c0_i32_0 = arith.constant 0 : i32
    return %arg0, %c0_i32 : i32, i32
  }
  func.func @transform_3(%arg0: i32) -> (i32, i32) {
    %add3A = arith.constant 10 : i32
    %add3A_0 = arith.addi %add3A, %arg0 : i32
    %c0_i32 = arith.constant 0 : i32
    %c0_i32_1 = arith.constant 0 : i32
    return %add3A_0, %c0_i32 : i32, i32
  }
  func.func @transform_4(%arg0: i32) -> (i32, i32, i32) {
    %c0_i32 = arith.constant 0 : i32
    %c0_i32_0 = arith.constant 0 : i32
    %c0_i32_1 = arith.constant 0 : i32
    return %c0_i32, %arg0, %c0_i32_0 : i32, i32, i32
  }
  func.func @transform_5(%arg0: i32) -> (i32, i32) {
    %c0_i32 = arith.constant 0 : i32
    %c0_i32_0 = arith.constant 0 : i32
    %c0_i32_1 = arith.constant 0 : i32
    return %c0_i32, %c0_i32_0 : i32, i32
  }
  func.func @transform_6(%arg0: i32) -> (i32, i32) {
    %c0_i32 = arith.constant 0 : i32
    %c0_i32_0 = arith.constant 0 : i32
    %c0_i32_1 = arith.constant 0 : i32
    return %c0_i32, %c0_i32_0 : i32, i32
  }
  func.func @transform_7(%arg0: i32) -> (i32, i32) {
    %c0_i32 = arith.constant 0 : i32
    %c0_i32_0 = arith.constant 0 : i32
    return %arg0, %c0_i32 : i32, i32
  }
}

module attributes {stable_mosaic.version = 14 : i64} {
  func.func @body(%arg0: i32, %arg1: memref<1x10240x16xf32, #tpu.memory_space<vmem>>, %arg2: memref<1x10240x16xf32, #tpu.memory_space<vmem>>, %arg3: memref<10240x16xf32, #tpu.memory_space<vmem>>, %arg4: memref<2x10240x16xf32, #tpu.memory_space<vmem>>, %arg5: memref<1x16xf32, #tpu.memory_space<vmem>>, %arg6: memref<16x16xf32, #tpu.memory_space<vmem>>, %arg7: memref<1x16xf32, #tpu.memory_space<vmem>>, %arg8: memref<1x16xf32, #tpu.memory_space<vmem>>) attributes {dimension_semantics = [#tpu.dimension_semantics<arbitrary>], iteration_bounds = array<i64: 1>, scalar_prefetch = 0 : i64, scratch_operands = 0 : i64, tpu.core_type = #tpu.core_type<tc>, window_params = [{transform_indices = @transform_0, window_bounds = array<i64: 1, 10240, 16>}, {transform_indices = @transform_1, window_bounds = array<i64: 1, 10240, 16>}, {pipeline_mode = #tpu.pipeline_mode<synchronous>, transform_indices = @transform_2, window_bounds = array<i64: 10240, 16>}, {pipeline_mode = #tpu.pipeline_mode<synchronous>, transform_indices = @transform_3, window_bounds = array<i64: 2, 10240, 16>}, {pipeline_mode = #tpu.pipeline_mode<synchronous>, transform_indices = @transform_4, window_bounds = array<i64: 1, 16>}, {pipeline_mode = #tpu.pipeline_mode<synchronous>, transform_indices = @transform_5, window_bounds = array<i64: 16, 16>}, {pipeline_mode = #tpu.pipeline_mode<synchronous>, transform_indices = @transform_6, window_bounds = array<i64: 1, 16>}, {pipeline_mode = #tpu.pipeline_mode<synchronous>, transform_indices = @transform_7, window_bounds = array<i64: 1, 16>}]} {
    %get3A = arith.constant 0 : index
    %get3A_0 = arith.constant 0 : index
    %get3A_1 = arith.constant 0 : index
    %get3A_2 = vector.load %arg4[%get3A, %get3A_0, %get3A_1] : memref<2x10240x16xf32, #tpu.memory_space<vmem>>, vector<1x10240x1xf32>
    %get3A_3 = vector.shape_cast %get3A_2 : vector<1x10240x1xf32> to vector<10240x1xf32>
    %get3A_4 = arith.constant 1 : index
    %get3A_5 = arith.constant 0 : index
    %get3A_6 = arith.constant 0 : index
    %get3A_7 = vector.load %arg4[%get3A_4, %get3A_5, %get3A_6] : memref<2x10240x16xf32, #tpu.memory_space<vmem>>, vector<1x10240x1xf32>
    %get3A_8 = vector.shape_cast %get3A_7 : vector<1x10240x1xf32> to vector<10240x1xf32>
    %add3A = arith.addf %get3A_3, %get3A_8 : vector<10240x1xf32>
    %add3A_9 = arith.constant 1.000000e+00 : f32
    %add3A_10 = vector.broadcast %add3A_9 : f32 to vector<10240x1xf32>
    %add3A_11 = arith.addf %add3A, %add3A_10 : vector<10240x1xf32>
    %rsqrt3A = math.rsqrt %add3A_11 : vector<10240x1xf32>
    %get3A_12 = arith.constant 0 : index
    %get3A_13 = arith.constant 0 : index
    %get3A_14 = arith.constant 0 : index
    %get3A_15 = vector.load %arg1[%get3A_12, %get3A_13, %get3A_14] : memref<1x10240x16xf32, #tpu.memory_space<vmem>>, vector<1x10240x16xf32>
    %get3A_16 = vector.shape_cast %get3A_15 : vector<1x10240x16xf32> to vector<10240x16xf32>
    %get3A_17 = arith.constant 0 : index
    %get3A_18 = arith.constant 0 : index
    %get3A_19 = arith.constant 0 : index
    %get3A_20 = vector.load %arg2[%get3A_17, %get3A_18, %get3A_19] : memref<1x10240x16xf32, #tpu.memory_space<vmem>>, vector<1x10240x16xf32>
    %get3A_21 = vector.shape_cast %get3A_20 : vector<1x10240x16xf32> to vector<10240x16xf32>
    %add3A_22 = arith.addf %get3A_16, %get3A_21 : vector<10240x16xf32>
    %get3A_23 = arith.constant 0 : index
    %get3A_24 = arith.constant 0 : index
    %get3A_25 = vector.load %arg3[%get3A_23, %get3A_24] : memref<10240x16xf32, #tpu.memory_space<vmem>>, vector<10240x16xf32>
    %add3A_26 = arith.addf %add3A_22, %get3A_25 : vector<10240x16xf32>
    %mul3A = vector.broadcast %rsqrt3A : vector<10240x1xf32> to vector<10240x16xf32>
    %mul3A_27 = arith.mulf %mul3A, %add3A_26 : vector<10240x16xf32>
    %get3A_28 = arith.constant 0 : index
    %get3A_29 = arith.constant 0 : index
    %get3A_30 = vector.load %arg5[%get3A_28, %get3A_29] : memref<1x16xf32, #tpu.memory_space<vmem>>, vector<1x16xf32>
    %add3A_31 = vector.broadcast %get3A_30 : vector<1x16xf32> to vector<10240x16xf32>
    %add3A_32 = arith.addf %mul3A_27, %add3A_31 : vector<10240x16xf32>
    %max3A = arith.constant 0.000000e+00 : f32
    %max3A_33 = vector.broadcast %max3A : f32 to vector<10240x16xf32>
    %max3A_34 = arith.maximumf %add3A_32, %max3A_33 : vector<10240x16xf32>
    %iota3A = tpu.iota {dimensions = array<i32: 0>} : vector<10240x1xi32>
    %lt3A = arith.constant 10000 : i32
    %lt3A_35 = vector.broadcast %lt3A : i32 to vector<10240x1xi32>
    %lt3A_36 = arith.cmpi slt, %iota3A, %lt3A_35 : vector<10240x1xi32>
    %jit3A = arith.constant 0.000000e+00 : f32
    %broadcast_in_dim3A = vector.shape_cast %lt3A_36 : vector<10240x1xi1> to vector<10240x1xi1>
    %broadcast_in_dim3A_37 = vector.broadcast %broadcast_in_dim3A : vector<10240x1xi1> to vector<10240x16xi1>
    %broadcast_in_dim3A_38 = vector.broadcast %jit3A : f32 to vector<10240x16xf32>
    %select_n3A = arith.select %broadcast_in_dim3A_37, %max3A_34, %broadcast_in_dim3A_38 : vector<10240x16xi1>, vector<10240x16xf32>
    %reduce_sum3A = arith.constant dense<0.000000e+00> : vector<16xf32>
    %reduce_sum3A_39 = vector.multi_reduction <add>, %select_n3A, %reduce_sum3A [0] : vector<10240x16xf32> to vector<16xf32>
    %mul3A_40 = arith.constant 9.99999974E-5 : f32
    %mul3A_41 = vector.broadcast %mul3A_40 : f32 to vector<16xf32>
    %mul3A_42 = arith.mulf %reduce_sum3A_39, %mul3A_41 : vector<16xf32>
    %broadcast_in_dim3A_43 = vector.shape_cast %mul3A_42 : vector<16xf32> to vector<1x16xf32>
    %get3A_44 = arith.constant 0 : index
    %get3A_45 = arith.constant 0 : index
    %get3A_46 = vector.load %arg6[%get3A_44, %get3A_45] : memref<16x16xf32, #tpu.memory_space<vmem>>, vector<16x16xf32>
    %mul3A_47 = vector.broadcast %broadcast_in_dim3A_43 : vector<1x16xf32> to vector<16x16xf32>
    %mul3A_48 = arith.mulf %mul3A_47, %get3A_46 : vector<16x16xf32>
    %reduce_sum3A_49 = arith.constant dense<0.000000e+00> : vector<16xf32>
    %reduce_sum3A_50 = vector.multi_reduction <add>, %mul3A_48, %reduce_sum3A_49 [1] : vector<16x16xf32> to vector<16xf32>
    %get3A_51 = arith.constant 0 : index
    %get3A_52 = arith.constant 0 : index
    %get3A_53 = vector.load %arg7[%get3A_51, %get3A_52] : memref<1x16xf32, #tpu.memory_space<vmem>>, vector<1x16xf32>
    %get3A_54 = vector.shape_cast %get3A_53 : vector<1x16xf32> to vector<16xf32>
    %add3A_55 = arith.addf %reduce_sum3A_50, %get3A_54 : vector<16xf32>
    %broadcast_in_dim3A_56 = vector.shape_cast %add3A_55 : vector<16xf32> to vector<1x16xf32>
    %swap3A = arith.constant 0 : index
    %swap3A_57 = arith.constant 0 : index
    %swap3A_58 = vector.load %arg8[%swap3A, %swap3A_57] : memref<1x16xf32, #tpu.memory_space<vmem>>, vector<1x16xf32>
    tpu.vector_store %arg8[%swap3A, %swap3A_57], %broadcast_in_dim3A_56 {strides = array<i32>} : memref<1x16xf32, #tpu.memory_space<vmem>>, vector<1x16xf32>,
    return
  }
  func.func @transform_0(%arg0: i32) -> (i32, i32, i32) {
    %c0_i32 = arith.constant 0 : i32
    %c0_i32_0 = arith.constant 0 : i32
    %c0_i32_1 = arith.constant 0 : i32
    %c0_i32_2 = arith.constant 0 : i32
    return %c0_i32, %c0_i32_0, %c0_i32_1 : i32, i32, i32
  }
  func.func @transform_1(%arg0: i32) -> (i32, i32, i32) {
    %c1_i32 = arith.constant 1 : i32
    %c0_i32 = arith.constant 0 : i32
    %c0_i32_0 = arith.constant 0 : i32
    %c0_i32_1 = arith.constant 0 : i32
    return %c1_i32, %c0_i32, %c0_i32_0 : i32, i32, i32
  }
  func.func @transform_2(%arg0: i32) -> (i32, i32) {
    %c0_i32 = arith.constant 0 : i32
    %c0_i32_0 = arith.constant 0 : i32
    %c0_i32_1 = arith.constant 0 : i32
    return %c0_i32, %c0_i32_0 : i32, i32
  }
  func.func @transform_3(%arg0: i32) -> (i32, i32, i32) {
    %c0_i32 = arith.constant 0 : i32
    %c0_i32_0 = arith.constant 0 : i32
    %c0_i32_1 = arith.constant 0 : i32
    %c0_i32_2 = arith.constant 0 : i32
    return %c0_i32, %c0_i32_0, %c0_i32_1 : i32, i32, i32
  }
  func.func @transform_4(%arg0: i32) -> (i32, i32) {
    %c0_i32 = arith.constant 0 : i32
    %c0_i32_0 = arith.constant 0 : i32
    %c0_i32_1 = arith.constant 0 : i32
    return %c0_i32, %c0_i32_0 : i32, i32
  }
  func.func @transform_5(%arg0: i32) -> (i32, i32) {
    %c0_i32 = arith.constant 0 : i32
    %c0_i32_0 = arith.constant 0 : i32
    %c0_i32_1 = arith.constant 0 : i32
    return %c0_i32, %c0_i32_0 : i32, i32
  }
  func.func @transform_6(%arg0: i32) -> (i32, i32) {
    %c0_i32 = arith.constant 0 : i32
    %c0_i32_0 = arith.constant 0 : i32
    %c0_i32_1 = arith.constant 0 : i32
    return %c0_i32, %c0_i32_0 : i32, i32
  }
  func.func @transform_7(%arg0: i32) -> (i32, i32) {
    %c0_i32 = arith.constant 0 : i32
    %c0_i32_0 = arith.constant 0 : i32
    %c0_i32_1 = arith.constant 0 : i32
    return %c0_i32, %c0_i32_0 : i32, i32
  }
}

</mosaic_0001>

<sc_bundles>
// kernel: kernel.11.cloned.1.call-start
scs
__scs_entry_jumppad:
0x0: {  	(pc) =	sbr.rel $0x88, $3  }
0x1: {  	(tag) =	ssettag $0x0;
	lr =	simm.s32 $0x1  }
0x2: {  	[smem:$0x3F99] =	sst lr;
	_ =	strace $0xD0000000  }
0x3: {  	_ = 	snop  }
0x4: {  	_ = 	snop  }
0x5: {  	_ = 	snop  }
0x6: {  	_ = 	snop  }
0x7: {  	_ = 	snop  }
__scs_overlays_trampoline_lowered:
0x8: {  	[smem:$0x3FA8] =	sst s0  }
0x9: {  	[smem:$0x3FA9] =	sst s1  }
0xa: {  	[smem:$0x3FAA] =	sst s2  }
0xb: {  	[smem:$0x3FAB] =	sst s3  }
0xc: {  	[smem:$0x3FAC] =	sst s4  }
0xd: {  	[smem:$0x3FAD] =	sst s5  }
0xe: {  	[smem:$0x3FAE] =	sst s6  }
0xf: {  	[smem:$0x3FAF] =	sst s7  }
0x10: {  	[smem:$0x3FB0] =	sst s8  }
0x11: {  	[smem:$0x3FB1] =	sst s9;
	s0 =	simm.s32 @!p0 $0x0  }
0x12: {  	s1 =	sld [smem:$0x3F97];
	s0 =	simm.s32 @p0 $0x1  }
0x13: {  	[smem:$0x3FB2] =	sst s0;
	s0 =	simm.s32 @!p1 $0x0  }
0x14: {  	s2 =	sld [smem:$0x3F96];
	s0 =	simm.s32 @p1 $0x1  }
0x15: {  	[smem:$0x3FB3] =	sst s0;
	s0 =	simm.s32 @!p2 $0x0  }
0x16: {  	s3 =	sld [smem:$0x3FDB];
	s0 =	simm.s32 @p2 $0x1  }
0x17: {  	s4 =	simm.s32 $0x1BF5;
	[smem:$0x3FB5] =	sst s0  }
0x18: {  	s0 =	sld [smem:$0x3F98];
	_ =	swait.ge [sflag:s4], $0x0  }
0x19: {  	s7 =	sld [smem:$0x3F99]  }
0x1a: {  	s8 =	sadd.s32 $0xFFFFE003, lr  }
0x1b: {  	s9 =	sadd.s32 $0xFFFFFEF7, lr;
	s5 =	simm.s32 $0xFFFFFFFF;
	p2 =	slt.u32 s8, $0xFFFFF086  }
0x1c: {  	p1 =	slt.u32 s9, $0xF7A;
	s5 =	simm.s32 @!p2 $0x0  }
0x1d: {  	s5 =	simm.s32 @p1 $0x1;
	p0 =	seq.s32 s7, s2  }
0x1e: {  	s7 =	smul.u32 @!p0 $0xF7A, s2;
	p2 =	seq.s32 @!p0 s5, $0x0  }
0x1f: {  	s9 =	smul.u32 $0xF7A, s1;
	s8 =	simm.s32 @!p0 $0x1BF5;
	p2 =	por !p2, p0  }
0x20: {  	[sflag:s8] =	ssyncset.s32 @!p0 $0xFFFFF086;
	s6 =	sadd.s32 @!p0 s3, s7;
	s7 =	simm.s32 @!p0 $0x108  }
0x21: {  	s3 =	sadd.s32 s3, s9;
	s6 =	sadd.s32 @!p0 $0x88, s6;
	s7 =	simm.s32 @p2 $0x1082  }
0x22: {  	[simem:s7], [sflag:s8] =	dma.local @!p0 [hbm:s6], $0xF7A  }
0x23: {  	s9 =	sor.u32 $0xD0000000, s2;
	s6 =	simm.s32 $0x108;
	_ =	swait.ge @!p0 [sflag:s8], $0x0  }
0x24: {  	s3 =	sadd.s32 $0x88, s3;
	s6 =	simm.s32 @!p1 $0x1082;
	[sflag:s4] =	ssyncset.s32 $0xFFFFF086  }
0x25: {  	[simem:s6], [sflag:s4] =	dma.local [hbm:s3], $0xF7A  }
0x26: {  	[smem:$0x3F99] =	sst s1;
	(tag) =	ssettag s2;
	_ =	strace s9  }
0x27: {  	s1 =	sld [smem:$0x3FA9]  }
0x28: {  	s2 =	sld [smem:$0x3FAA]  }
0x29: {  	s4 =	sld [smem:$0x3FAC]  }
0x2a: {  	p0 =	seq.s32 s5, $0x0;
	s5 =	sld [smem:$0x3FAD]  }
0x2b: {  	s6 =	sld [smem:$0x3FAE]  }
0x2c: {  	s7 =	sld [smem:$0x3FAF]  }
0x2d: {  	s3 =	simm.s32 $0x108;
	s8 =	sld [smem:$0x3FB0]  }
0x2e: {  	s3 =	simm.s32 @!p0 $0x1082;
	s9 =	sld [smem:$0x3FB1]  }
0x2f: {  	lr =	sadd.s32 s0, s3;
	s0 =	sld [smem:$0x3FA8]  }
0x30: {  	s3 =	sld [smem:$0x3FAB]  }
0x31: {  	[smem:$0x3FB4] =	sst s10  }
0x32: {  	s10 =	sld [smem:$0x3FB2];
	_ =	sdelay $0x3  }
0x33: {  	p0 =	seq.s32 s10, $0x1;
	s10 =	sld [smem:$0x3FB4];
	_ =	sdelay $0x3  }
0x34: {  	[smem:$0x3FB4] =	sst s10  }
0x35: {  	s10 =	sld [smem:$0x3FB3];
	_ =	sdelay $0x3  }
0x36: {  	p1 =	seq.s32 s10, $0x1;
	s10 =	sld [smem:$0x3FB4];
	_ =	sdelay $0x3  }
0x37: {  	[smem:$0x3FB4] =	sst s10  }
0x38: {  	s10 =	sld [smem:$0x3FB5]  }
0x39: {  	_ = 	snop;
	(pc) =	sbr.ind lr, $3  }
0x3a: {  	_ = 	snop  }
0x3b: {  	_ = 	snop  }
0x3c: {  	p2 =	seq.s32 s10, $0x1;
	s10 =	sld [smem:$0x3FB4]  }
0x3d: {  	_ =	shalt  }
0x3e: {  	_ =	shalt  }
0x3f: {  	_ =	shalt  }
0x40: {  	_ =	shalt  }
0x41: {  	_ =	shalt  }
0x42: {  	_ =	shalt  }
0x43: {  	_ =	shalt  }
0x44: {  	_ =	shalt  }
0x45: {  	_ =	shalt  }
0x46: {  	_ =	shalt  }
0x47: {  	_ =	shalt  }
0x48: {  	_ =	shalt  }
0x49: {  	_ =	shalt  }
0x4a: {  	_ =	shalt  }
0x4b: {  	_ =	shalt  }
0x4c: {  	_ =	shalt  }
0x4d: {  	_ =	shalt  }
0x4e: {  	_ =	shalt  }
0x4f: {  	_ =	shalt  }
0x50: {  	_ =	shalt  }
0x51: {  	_ =	shalt  }
0x52: {  	_ =	shalt  }
0x53: {  	_ =	shalt  }
0x54: {  	_ =	shalt  }
0x55: {  	_ =	shalt  }
0x56: {  	_ =	shalt  }
0x57: {  	_ =	shalt  }
0x58: {  	_ =	shalt  }
0x59: {  	_ =	shalt  }
0x5a: {  	_ =	shalt  }
0x5b: {  	_ =	shalt  }
0x5c: {  	_ =	shalt  }
0x5d: {  	_ =	shalt  }
0x5e: {  	_ =	shalt  }
0x5f: {  	_ =	shalt  }
0x60: {  	_ =	shalt  }
0x61: {  	_ =	shalt  }
0x62: {  	_ =	shalt  }
0x63: {  	_ =	shalt  }
0x64: {  	_ =	shalt  }
0x65: {  	_ =	shalt  }
0x66: {  	_ =	shalt  }
0x67: {  	_ =	shalt  }
0x68: {  	_ =	shalt  }
0x69: {  	_ =	shalt  }
0x6a: {  	_ =	shalt  }
0x6b: {  	_ =	shalt  }
0x6c: {  	_ =	shalt  }
0x6d: {  	_ =	shalt  }
0x6e: {  	_ =	shalt  }
0x6f: {  	_ =	shalt  }
0x70: {  	_ =	shalt  }
0x71: {  	_ =	shalt  }
0x72: {  	_ =	shalt  }
0x73: {  	_ =	shalt  }
0x74: {  	_ =	shalt  }
0x75: {  	_ =	shalt  }
0x76: {  	_ =	shalt  }
0x77: {  	_ =	shalt  }
0x78: {  	_ =	shalt  }
0x79: {  	_ =	shalt  }
0x7a: {  	_ =	shalt  }
0x7b: {  	_ =	shalt  }
0x7c: {  	_ =	shalt  }
0x7d: {  	_ =	shalt  }
0x7e: {  	_ =	shalt  }
0x7f: {  	_ =	shalt  }
0x80: {  	_ =	shalt  }
0x81: {  	_ =	shalt  }
0x82: {  	_ =	shalt  }
0x83: {  	_ =	shalt  }
0x84: {  	_ =	shalt  }
0x85: {  	_ =	shalt  }
0x86: {  	_ =	shalt  }
0x87: {  	_ =	shalt  }
.Lfunc_end0:
.L_simem_size_0:
called_computation.1_lowered:
.L_overlay_start_0:
0x88: {  	s2 =	sld [smem:$0x3FD9]  }
0x89: {  	s3 =	sld [smem:$0x3FFE];
	_ =	sdelay $0x1  }
0x8a: {  	s1 =	srdreg.scid  }
0x8b: {  	s0 =	sand.u32 $0x1, s1  }
0x8c: {  	s16 =	sshll.u32 s0, $0xA;
	s2 =	sadd.s32 s3, s2  }
0x8d: {  	s2 =	sadd.s32 s2, s16  }
0x8e: {  	[smem:$0x3FC0] =	sst s2  }
0x8f: {  	_ = 	snop  }
0x90: {  	(tm) =	ssettm $0x1  }
0x91: {  	s17 =	sld [smem:$0x3FFB];
	_ =	sdelay $0x3  }
0x92: {  	_ =	strace s17  }
0x93: {  	s2 =	sld [smem:$0x3FFC];
	_ =	sdelay $0x3  }
0x94: {  	_ =	strace s2  }
0x95: {  	s2 =	sld [smem:$0x3FFD];
	_ =	sdelay $0x3  }
0x96: {  	_ =	strace s2  }
0x97: {  	_ =	strace $0x8FFFFFFF  }
0x98: {  	s18 =	sld [smem:$0x3FDB];
	_ =	sdelay $0x1  }
0x99: {  	s19 =	simm.s32 $_scs_section_size  }
0x9a: {  	s4 =	simm.s32 $_size__tile_overlayer_lowered;
	s5 =	simm.s32 $_tile_overlayer_lowered  }
0x9b: {  	s22 =	simm.s32 $0x1BFF;
	s21 =	sshll.u32 s5, $0x1;
	s2 =	sadd.s32 s19, s18  }
0x9c: {  	s6 =	simm.s32 $0x0;
	s20 =	sshll.u32 s4, $0x1;
	s4 =	sadd.s32 s21, s2  }
0x9d: {  	[timem:s6], [sflag:s22] =	dma.local [hbm:s4], s20  }
0x9e: {  	_ =	swait.ge [sflag:s22], s20  }
0x9f: {  	s3 =	ssub.s32 $0x0, s20;
	[sflag:s22] =	ssyncset.done $0x0  }
0xa0: {  	[sflag:s22] =	ssyncadd.s32 s3;
	_ =	sdelay $0x1  }
0xa1: {  	s23 =	simm.s32 $0x1B8B  }
0xa2: {  	_ =	swait.ge [sflag:s23], $0x1  }
0xa3: {  	[sflag:s23] =	ssyncset.done $0x0  }
0xa4: {  	s25 =	simm.s32 $0x1B8E;
	s24 =	sld [smem:$0x3FFE];
	[sflag:s23] =	ssyncadd.s32 $0xFFFFFFFF  }
0xa5: {  	s26 =	simm.s32 $execute0_lowered;
	[smem:$0x3FD2] =	sst s25  }
0xa6: {  	s4 =	sshll.u32 s26, $0x1;
	_ =	strace $0x80000049;
	[dreg:$0x1] =	wrdreg $0xFFFFFFFF  }
0xa7: {  	s28 =	simm.s32 $_size_execute0_lowered;
	s2 =	sadd.s32 s2, s4;
	[dreg:$0x0] =	wrdreg $0x0  }
0xa8: {  	s4 =	sshll.u32 s28, $0x1;
	[dreg:$0x2] =	wrdreg s2  }
0xa9: {  	[dreg:$0x3] =	wrdreg s4  }
0xaa: {  	[dreg:$0x4] =	wrdreg $0xC0  }
0xab: {  	_ =	task [dreg:s6], $0x5FFFF  }
0xac: {  	[dreg:$0x1] =	wrdreg $0xFFFFFFFF  }
0xad: {  	[dreg:$0x0] =	wrdreg $0x60  }
0xae: {  	[dreg:$0x2] =	wrdreg s24  }
0xaf: {  	[dreg:$0x3] =	wrdreg $0xDE000  }
0xb0: {  	[dreg:$0x4] =	wrdreg $0x9  }
0xb1: {  	_ =	task.clear_ibuf [dreg:s6], $0x5FFFF;
	_ =	strace $0x90000049  }
0xb2: {  	s29 =	simm.s32 $0x9;
	_ =	strace $0x8000004B  }
0xb3: {  	_ =	swait.ge [sflag:s29], $0x1  }
0xb4: {  	[sflag:s29] =	ssyncadd.s32 $0xFFFFFFFF  }
0xb5: {  	_ =	strace $0x9000004B  }
0xb6: {  	_ =	sfence  }
0xb7: {  	s30 =	sld [smem:$0x0];
	_ =	sdelay $0x2  }
0xb8: {  	s31 =	sshll.u32 s1, $0xD;
	s1 =	sshrl.u32 s1, $0x2  }
0xb9: {  	s3 =	sand.u32 $0x4000, s31;
	s1 =	sadd.s32 s1, s30  }
0xba: {  	s0 =	sor.u32 s3, s0;
	s1 =	sshll.u32 s1, $0x11  }
0xbb: {  	s0 =	sor.u32 s1, s0  }
0xbc: {  	s0 =	sadd.s32 $0x8F2B, s0  }
0xbd: {  	[sflag:s0] =	ssyncadd.remote.s32 $0x1  }
0xbe: {  	_ =	sfence.sel $0xFFFF  }
0xbf: {  	[dreg:$0x0] =	wrdreg $0xFFFFFFFF;
	(pc) =	sbr.abs _section_cstart, $3  }
0xc0: {  	[dreg:$0x1] =	wrdreg $0xFFFFFFFF  }
0xc1: {  	_ =	task.clear_ibuf [dreg:s6], $0x2FFFF;
	_ =	strace $0x9FFFFFFF  }
0xc2: {  	(tm) =	ssettm $0x7FFFFFFF  }
0xc3: {  	_ =	shalt  }
tec
execute0_lowered:
.L_overlay_start_1:
0x0: {  	(tag) =	ssettag $0x1  }
0x1: {  	s5 =	rddreg [dreg:$0x0];
	s1 =	srdreg.scid  }
0x2: {  	s0 =	stileid.u32;
	s2 =	rddreg [dreg:$0x1];
	s3 =	simm.s32 $0x0  }
0x3: {  	s14 =	simm.s32 $0x80;
	s15 =	simm.s32 $0x9E00;
	s16 =	simm.s32 $0xBE00  }
0x4: {  	s17 =	simm.s32 $0x1;
	s18 =	simm.s32 $0x2;
	s19 =	simm.s32 $0x4E80  }
0x5: {  	s20 =	simm.s32 $0x9D00;
	s21 =	simm.s32 $0x9D80;
	s7 =	smul.u32 $0x4F00, s0  }
0x6: {  	s6 =	sand.u32 $0x1, s1;
	s1 =	rddreg [dreg:$0x2];
	s8 =	smul.u32 $0xA000, s0  }
0x7: {  	s22 =	simm.s32 $0x0;
	[smem:$0x7FF] =	sst s3;
	s4 =	smul.u32 $0x4F000, s6  }
0x8: {  	s31 =	sshll.u32 s0, $0x6;
	s10 =	smul.u32 $0xA0000, s6;
	s6 =	ssub.s32 $0x2, s6  }
0x9: {  	_ =	strace $0x8000004A;
	s11 =	sshrl.u32 s8, $0x3;
	s30 =	sshrl.u32 s6, $0x1  }
0xa: {  	s13 =	sadd.s32 s8, s2;
	s9 =	sadd.s32 s7, s4;
	s4 =	sadd.s32 $0xD8400, s5  }
0xb: {  	s7 =	sshrl.u32 s7, $0x3;
	s10 =	sadd.s32 s8, s10;
	s11 =	sadd.s32 s11, s5  }
0xc: {  	s12 =	ssub.s32 s6, s30;
	s13 =	sshrl.u32 s13, $0x3;
	s9 =	sshrl.u32 s9, $0x3  }
0xd: {  	s7 =	sadd.s32 s7, s5;
	s10 =	sshrl.u32 s10, $0x3;
	s9 =	sadd.s32 s9, s5  }
0xe: {  	s10 =	sadd.s32 s10, s5;
	s6 =	sadd.s32 $0x1AA00, s7;
	s7 =	sadd.s32 $0x100400, s11  }
0xf: {  	s11 =	simm.s32 $0x4F00;
	s5 =	sadd.s32 $0x24800, s9;
	s8 =	sadd.s32 $0x114400, s10  }
0x10: {  	s9 =	smax.u32 s12, $0x1;
	s10 =	simm.s32 $0x3;
	s12 =	sor.u32 $0x1C03, s31  }
.LBB2_1:
0x11: {  	[tilespmem:s3], [sflag:$0x3] =	stream.linear.gather [hbm4b:s5+s3], $0x4F00, $0x38;
	[tilespmem:$0x17E00] =	vst v63  }
0x12: {  	_ =	swait.ge [sflag:s10], $0x4F00  }
0x13: {  	[sflag:s10] =	ssyncset.done $0x0  }
0x14: {  	[sflag:s10] =	ssyncadd.s32 $0xFFFFB100  }
0x15: {  	[tilespmem:s11], [sflag:$0x3] =	stream.linear.gather [hbm4b:s6+s3], $0x4F00, $0x38;
	[tilespmem:$0x17E00] =	vst v63  }
0x16: {  	_ =	swait.ge [sflag:s10], $0x4F00  }
0x17: {  	[sflag:s10] =	ssyncset.done $0x0  }
0x18: {  	[sflag:s10] =	ssyncadd.s32 $0xFFFFB100  }
0x19: {  	[spmem:s13], [sflag:s12] =	dma.local [hbm:s7], $0x1400  }
0x1a: {  	_ =	swait.ge [sflag:s10], $0x1400  }
0x1b: {  	[sflag:s10] =	ssyncset.done $0x0  }
0x1c: {  	[sflag:s10] =	ssyncadd.s32 $0xFFFFEC00  }
0x1d: {  	[bflag:$0x0] =	sbarrier.arrive $0xFFFF  }
0x1e: {  	[tilespmem:s15], [sflag:$0x1] =	stream.indirect.gather [hbm4b:s4+s14], $0x40, s3, s14, $0xb8;
	[tilespmem:$0x17E00] =	vst v63  }
0x1f: {  	s23 =	simm.s32 $0x80  }
0x20: {  	[tilespmem:s16], [sflag:$0x2] =	stream.indirect.gather [hbm4b:s4+s14], $0x40, s23, s14, $0xb8;
	[tilespmem:$0x17E00] =	vst v63  }
0x21: {  	_ =	swait.ge [sflag:s17], $0x2000  }
0x22: {  	[sflag:s17] =	ssyncset.done $0x0  }
0x23: {  	s29 =	simm.s32 $0x4F00;
	[sflag:s17] =	ssyncadd.s32 $0xFFFFE000  }
0x24: {  	[spmem:s2] =	stream.indirect.scatter.add.f32 [tilespmem:s15], [sflag:$0x3], $0x40, s29, s14, $0xb8;
	[tilespmem:$0x17E00] =	vst v63  }
0x25: {  	_ =	swait.ge [sflag:s10], $0x2000  }
0x26: {  	[sflag:s10] =	ssyncset.done $0x0  }
0x27: {  	s30 =	simm.s32 $0x100;
	[sflag:s10] =	ssyncadd.s32 $0xFFFFE000  }
0x28: {  	[tilespmem:s15], [sflag:$0x1] =	stream.indirect.gather [hbm4b:s4+s14], $0x40, s30, s14, $0xb8;
	[tilespmem:$0x17E00] =	vst v63  }
0x29: {  	_ =	swait.ge [sflag:s18], $0x2000  }
0x2a: {  	[sflag:s18] =	ssyncset.done $0x0  }
0x2b: {  	s31 =	simm.s32 $0x4F80;
	[sflag:s18] =	ssyncadd.s32 $0xFFFFE000  }
0x2c: {  	[spmem:s2] =	stream.indirect.scatter.add.f32 [tilespmem:s16], [sflag:$0x3], $0x40, s31, s14, $0xb8;
	[tilespmem:$0x17E00] =	vst v63  }
0x2d: {  	_ =	swait.ge [sflag:s10], $0x2000  }
0x2e: {  	s24 =	simm.s32 $0x800;
	s23 =	simm.s32 $0x100;
	[sflag:s10] =	ssyncset.done $0x0  }
.LBB2_2:
0x2f: {  	s25 =	sadd.s32 $0x80, s23  }
0x30: {  	[sflag:s10] =	ssyncadd.s32 $0xFFFFE000;
	s26 =	smov.u32 s24;
	s28 =	sadd.s32 $0x400, s24  }
0x31: {  	[tilespmem:s16], [sflag:$0x2] =	stream.indirect.gather [hbm4b:s4+s14], $0x40, s25, s14, $0xb8;
	[tilespmem:$0x17E00] =	vst v63  }
0x32: {  	p0 =	sne.s32 s24, $0x13400;
	_ =	swait.ge [sflag:s17], $0x2000  }
0x33: {  	[sflag:s17] =	ssyncset.done $0x0  }
0x34: {  	s24 =	sadd.s32 $0x4F00, s23;
	[sflag:s17] =	ssyncadd.s32 $0xFFFFE000  }
0x35: {  	[spmem:s2] =	stream.indirect.scatter.add.f32 [tilespmem:s15], [sflag:$0x3], $0x40, s24, s14, $0xb8;
	[tilespmem:$0x17E00] =	vst v63  }
0x36: {  	_ =	swait.ge [sflag:s10], $0x2000  }
0x37: {  	[sflag:s10] =	ssyncset.done $0x0  }
0x38: {  	s24 =	sadd.s32 $0x100, s23;
	[sflag:s10] =	ssyncadd.s32 $0xFFFFE000  }
0x39: {  	[tilespmem:s15], [sflag:$0x1] =	stream.indirect.gather [hbm4b:s4+s14], $0x40, s24, s14, $0xb8;
	[tilespmem:$0x17E00] =	vst v63  }
0x3a: {  	_ =	swait.ge [sflag:s18], $0x2000  }
.Ltmp0:
0x3b: {  	[sflag:s18] =	ssyncset.done $0x0;
	(pc) =	sbr.rel @p0 .LBB2_2-.Ltmp0, $4  }
0x3c: {  	s23 =	sadd.s32 $0x4F80, s23;
	[sflag:s18] =	ssyncadd.s32 $0xFFFFE000  }
0x3d: {  	[spmem:s2] =	stream.indirect.scatter.add.f32 [tilespmem:s16], [sflag:$0x3], $0x40, s23, s14, $0xb8;
	[tilespmem:$0x17E00] =	vst v63  }
0x3e: {  	_ =	swait.ge [sflag:s10], $0x2000  }
0x3f: {  	s24 =	smov.u32 s28;
	s23 =	sshra.s32 s26, $0x2;
	[sflag:s10] =	ssyncset.done $0x0  }
0x40: {  	s24 =	sadd.s32 $0x80, s23;
	[sflag:s10] =	ssyncadd.s32 $0xFFFFE000  }
0x41: {  	[tilespmem:s16], [sflag:$0x2] =	stream.indirect.gather [hbm4b:s4+s14], $0x40, s24, s14, $0xb8;
	[tilespmem:$0x17E00] =	vst v63  }
0x42: {  	_ =	swait.ge [sflag:s17], $0x2000  }
0x43: {  	[sflag:s17] =	ssyncset.done $0x0  }
0x44: {  	s29 =	sadd.s32 $0x4F00, s23;
	[sflag:s17] =	ssyncadd.s32 $0xFFFFE000  }
0x45: {  	[spmem:s2] =	stream.indirect.scatter.add.f32 [tilespmem:s15], [sflag:$0x3], $0x40, s29, s14, $0xb8;
	[tilespmem:$0x17E00] =	vst v63  }
0x46: {  	_ =	swait.ge [sflag:s10], $0x2000  }
0x47: {  	[sflag:s10] =	ssyncset.done $0x0  }
0x48: {  	s30 =	sadd.s32 $0x100, s23;
	[sflag:s10] =	ssyncadd.s32 $0xFFFFE000  }
0x49: {  	[tilespmem:s15], [sflag:$0x1] =	stream.indirect.gather [hbm4b:s4+s14], $0x40, s30, s14, $0xb8;
	[tilespmem:$0x17E00] =	vst v63  }
0x4a: {  	_ =	swait.ge [sflag:s18], $0x2000  }
0x4b: {  	[sflag:s18] =	ssyncset.done $0x0  }
0x4c: {  	s31 =	sadd.s32 $0x4F80, s23;
	[sflag:s18] =	ssyncadd.s32 $0xFFFFE000  }
0x4d: {  	[spmem:s2] =	stream.indirect.scatter.add.f32 [tilespmem:s16], [sflag:$0x3], $0x40, s31, s14, $0xb8;
	[tilespmem:$0x17E00] =	vst v63  }
0x4e: {  	_ =	swait.ge [sflag:s10], $0x2000  }
0x4f: {  	[sflag:s10] =	ssyncset.done $0x0  }
0x50: {  	[sflag:s10] =	ssyncadd.s32 $0xFFFFE000  }
0x51: {  	[tilespmem:s16], [sflag:$0x2] =	stream.indirect.gather [hbm4b:s4+s14], $0x40, s19, s14, $0xb8;
	[tilespmem:$0x17E00] =	vst v63  }
0x52: {  	_ =	swait.ge [sflag:s17], $0x2000  }
0x53: {  	[sflag:s17] =	ssyncset.done $0x0  }
0x54: {  	[sflag:s17] =	ssyncadd.s32 $0xFFFFE000  }
0x55: {  	[spmem:s2] =	stream.indirect.scatter.add.f32 [tilespmem:s15], [sflag:$0x3], $0x40, s20, s14, $0xb8;
	[tilespmem:$0x17E00] =	vst v63  }
0x56: {  	_ =	swait.ge [sflag:s10], $0x2000  }
0x57: {  	[sflag:s10] =	ssyncset.done $0x0  }
0x58: {  	[sflag:s10] =	ssyncadd.s32 $0xFFFFE000  }
0x59: {  	_ =	swait.ge [sflag:s18], $0x2000  }
0x5a: {  	[sflag:s18] =	ssyncset.done $0x0  }
0x5b: {  	[sflag:s18] =	ssyncadd.s32 $0xFFFFE000  }
0x5c: {  	[spmem:s2] =	stream.indirect.scatter.add.f32 [tilespmem:s16], [sflag:$0x3], $0x40, s21, s14, $0xb8;
	[tilespmem:$0x17E00] =	vst v63  }
0x5d: {  	_ =	swait.ge [sflag:s10], $0x2000  }
0x5e: {  	s22 =	sadd.s32 $0x1, s22;
	[sflag:s10] =	ssyncset.done $0x0  }
0x5f: {  	p0 =	sne.s32 s22, s9;
	[sflag:s10] =	ssyncadd.s32 $0xFFFFE000  }
.Ltmp1:
0x60: {  	[bflag:$0x0] =	sbarrier.arrive $0xFFFF;
	(pc) =	sbr.rel @p0 .LBB2_1-.Ltmp1, $4  }
0x61: {  	[hbm:s8], [sflag:s12] =	dma.local [spmem:s13], $0x1400  }
0x62: {  	_ =	swait.ge [sflag:s10], $0x1400  }
0x63: {  	[sflag:s10] =	ssyncset.done $0x0  }
0x64: {  	[sflag:s10] =	ssyncadd.s32 $0xFFFFEC00  }
0x65: {  	_ =	sfence.sel $0x180000  }
0x66: {  	[bflag:$0x0] =	sbarrier.arrive $0xFFFF  }
0x67: {  	p0 =	sne.s32 s0, $0x0;
	_ =	strace $0x9000004A  }
0x68: {  	s0 =	sadd.s32 @!p0 $0x100000, s1;
	[bflag:$0x2] =	sbarrier.arrive $0xFFFF  }
0x69: {  	[sflag:s0] =	ssyncadd.tile.s32 @!p0 $0x1;
	_ =	shalt  }
.Lfunc_end2:
_tile_overlayer_lowered:
.L_overlay_start_2:
0x6a: {  	(tag) =	ssettag $0x2  }
0x6b: {  	s0 =	rddreg [dreg:$0x0];
	s2 =	stileid.u32  }
0x6c: {  	s1 =	rddreg [dreg:$0x1];
	p0 =	sne.s32 s2, $0x0  }
0x6d: {  	s3 =	rddreg [dreg:$0x2];
	[bflag:$0x3] =	sbarrier.arrive $0xFFFF;
	s2 =	simm.s32 @!p0 $0x1C03  }
0x6e: {  	[timem:s3], [sflag:s2] =	dma.local @!p0 [hbm:s0], s1  }
0x6f: {  	s0 =	simm.s32 @!p0 $0x3  }
0x70: {  	_ =	swait.ge @!p0 [sflag:s0], s1  }
0x71: {  	s1 =	ssub.s32 @!p0 $0x0, s1;
	[sflag:s0] =	ssyncset.done @!p0 $0x0  }
0x72: {  	[sflag:s0] =	ssyncadd.s32 @!p0 s1  }
0x73: {  	[bflag:$0x3] =	sbarrier.arrive $0xFFFF  }
0x74: {  	_ =	shalt  }

// kernel: kernel.14.cloned.1.call-start
scs
__scs_entry_jumppad:
0x0: {  	(pc) =	sbr.rel $0x88, $3  }
0x1: {  	(tag) =	ssettag $0x0;
	lr =	simm.s32 $0x1  }
0x2: {  	[smem:$0x3F99] =	sst lr;
	_ =	strace $0xD0000000  }
0x3: {  	_ = 	snop  }
0x4: {  	_ = 	snop  }
0x5: {  	_ = 	snop  }
0x6: {  	_ = 	snop  }
0x7: {  	_ = 	snop  }
__scs_overlays_trampoline_lowered:
0x8: {  	[smem:$0x3FA8] =	sst s0  }
0x9: {  	[smem:$0x3FA9] =	sst s1  }
0xa: {  	[smem:$0x3FAA] =	sst s2  }
0xb: {  	[smem:$0x3FAB] =	sst s3  }
0xc: {  	[smem:$0x3FAC] =	sst s4  }
0xd: {  	[smem:$0x3FAD] =	sst s5  }
0xe: {  	[smem:$0x3FAE] =	sst s6  }
0xf: {  	[smem:$0x3FAF] =	sst s7  }
0x10: {  	[smem:$0x3FB0] =	sst s8  }
0x11: {  	[smem:$0x3FB1] =	sst s9;
	s0 =	simm.s32 @!p0 $0x0  }
0x12: {  	s1 =	sld [smem:$0x3F97];
	s0 =	simm.s32 @p0 $0x1  }
0x13: {  	[smem:$0x3FB2] =	sst s0;
	s0 =	simm.s32 @!p1 $0x0  }
0x14: {  	s2 =	sld [smem:$0x3F96];
	s0 =	simm.s32 @p1 $0x1  }
0x15: {  	[smem:$0x3FB3] =	sst s0;
	s0 =	simm.s32 @!p2 $0x0  }
0x16: {  	s3 =	sld [smem:$0x3FDB];
	s0 =	simm.s32 @p2 $0x1  }
0x17: {  	s4 =	simm.s32 $0x1BF5;
	[smem:$0x3FB5] =	sst s0  }
0x18: {  	s0 =	sld [smem:$0x3F98];
	_ =	swait.ge [sflag:s4], $0x0  }
0x19: {  	s7 =	sld [smem:$0x3F99]  }
0x1a: {  	s8 =	sadd.s32 $0xFFFFE003, lr  }
0x1b: {  	s9 =	sadd.s32 $0xFFFFFEF7, lr;
	s5 =	simm.s32 $0xFFFFFFFF;
	p2 =	slt.u32 s8, $0xFFFFF086  }
0x1c: {  	p1 =	slt.u32 s9, $0xF7A;
	s5 =	simm.s32 @!p2 $0x0  }
0x1d: {  	s5 =	simm.s32 @p1 $0x1;
	p0 =	seq.s32 s7, s2  }
0x1e: {  	s7 =	smul.u32 @!p0 $0xF7A, s2;
	p2 =	seq.s32 @!p0 s5, $0x0  }
0x1f: {  	s9 =	smul.u32 $0xF7A, s1;
	s8 =	simm.s32 @!p0 $0x1BF5;
	p2 =	por !p2, p0  }
0x20: {  	[sflag:s8] =	ssyncset.s32 @!p0 $0xFFFFF086;
	s6 =	sadd.s32 @!p0 s3, s7;
	s7 =	simm.s32 @!p0 $0x108  }
0x21: {  	s3 =	sadd.s32 s3, s9;
	s6 =	sadd.s32 @!p0 $0x88, s6;
	s7 =	simm.s32 @p2 $0x1082  }
0x22: {  	[simem:s7], [sflag:s8] =	dma.local @!p0 [hbm:s6], $0xF7A  }
0x23: {  	s9 =	sor.u32 $0xD0000000, s2;
	s6 =	simm.s32 $0x108;
	_ =	swait.ge @!p0 [sflag:s8], $0x0  }
0x24: {  	s3 =	sadd.s32 $0x88, s3;
	s6 =	simm.s32 @!p1 $0x1082;
	[sflag:s4] =	ssyncset.s32 $0xFFFFF086  }
0x25: {  	[simem:s6], [sflag:s4] =	dma.local [hbm:s3], $0xF7A  }
0x26: {  	[smem:$0x3F99] =	sst s1;
	(tag) =	ssettag s2;
	_ =	strace s9  }
0x27: {  	s1 =	sld [smem:$0x3FA9]  }
0x28: {  	s2 =	sld [smem:$0x3FAA]  }
0x29: {  	s4 =	sld [smem:$0x3FAC]  }
0x2a: {  	p0 =	seq.s32 s5, $0x0;
	s5 =	sld [smem:$0x3FAD]  }
0x2b: {  	s6 =	sld [smem:$0x3FAE]  }
0x2c: {  	s7 =	sld [smem:$0x3FAF]  }
0x2d: {  	s3 =	simm.s32 $0x108;
	s8 =	sld [smem:$0x3FB0]  }
0x2e: {  	s3 =	simm.s32 @!p0 $0x1082;
	s9 =	sld [smem:$0x3FB1]  }
0x2f: {  	lr =	sadd.s32 s0, s3;
	s0 =	sld [smem:$0x3FA8]  }
0x30: {  	s3 =	sld [smem:$0x3FAB]  }
0x31: {  	[smem:$0x3FB4] =	sst s10  }
0x32: {  	s10 =	sld [smem:$0x3FB2];
	_ =	sdelay $0x3  }
0x33: {  	p0 =	seq.s32 s10, $0x1;
	s10 =	sld [smem:$0x3FB4];
	_ =	sdelay $0x3  }
0x34: {  	[smem:$0x3FB4] =	sst s10  }
0x35: {  	s10 =	sld [smem:$0x3FB3];
	_ =	sdelay $0x3  }
0x36: {  	p1 =	seq.s32 s10, $0x1;
	s10 =	sld [smem:$0x3FB4];
	_ =	sdelay $0x3  }
0x37: {  	[smem:$0x3FB4] =	sst s10  }
0x38: {  	s10 =	sld [smem:$0x3FB5]  }
0x39: {  	_ = 	snop;
	(pc) =	sbr.ind lr, $3  }
0x3a: {  	_ = 	snop  }
0x3b: {  	_ = 	snop  }
0x3c: {  	p2 =	seq.s32 s10, $0x1;
	s10 =	sld [smem:$0x3FB4]  }
0x3d: {  	_ =	shalt  }
0x3e: {  	_ =	shalt  }
0x3f: {  	_ =	shalt  }
0x40: {  	_ =	shalt  }
0x41: {  	_ =	shalt  }
0x42: {  	_ =	shalt  }
0x43: {  	_ =	shalt  }
0x44: {  	_ =	shalt  }
0x45: {  	_ =	shalt  }
0x46: {  	_ =	shalt  }
0x47: {  	_ =	shalt  }
0x48: {  	_ =	shalt  }
0x49: {  	_ =	shalt  }
0x4a: {  	_ =	shalt  }
0x4b: {  	_ =	shalt  }
0x4c: {  	_ =	shalt  }
0x4d: {  	_ =	shalt  }
0x4e: {  	_ =	shalt  }
0x4f: {  	_ =	shalt  }
0x50: {  	_ =	shalt  }
0x51: {  	_ =	shalt  }
0x52: {  	_ =	shalt  }
0x53: {  	_ =	shalt  }
0x54: {  	_ =	shalt  }
0x55: {  	_ =	shalt  }
0x56: {  	_ =	shalt  }
0x57: {  	_ =	shalt  }
0x58: {  	_ =	shalt  }
0x59: {  	_ =	shalt  }
0x5a: {  	_ =	shalt  }
0x5b: {  	_ =	shalt  }
0x5c: {  	_ =	shalt  }
0x5d: {  	_ =	shalt  }
0x5e: {  	_ =	shalt  }
0x5f: {  	_ =	shalt  }
0x60: {  	_ =	shalt  }
0x61: {  	_ =	shalt  }
0x62: {  	_ =	shalt  }
0x63: {  	_ =	shalt  }
0x64: {  	_ =	shalt  }
0x65: {  	_ =	shalt  }
0x66: {  	_ =	shalt  }
0x67: {  	_ =	shalt  }
0x68: {  	_ =	shalt  }
0x69: {  	_ =	shalt  }
0x6a: {  	_ =	shalt  }
0x6b: {  	_ =	shalt  }
0x6c: {  	_ =	shalt  }
0x6d: {  	_ =	shalt  }
0x6e: {  	_ =	shalt  }
0x6f: {  	_ =	shalt  }
0x70: {  	_ =	shalt  }
0x71: {  	_ =	shalt  }
0x72: {  	_ =	shalt  }
0x73: {  	_ =	shalt  }
0x74: {  	_ =	shalt  }
0x75: {  	_ =	shalt  }
0x76: {  	_ =	shalt  }
0x77: {  	_ =	shalt  }
0x78: {  	_ =	shalt  }
0x79: {  	_ =	shalt  }
0x7a: {  	_ =	shalt  }
0x7b: {  	_ =	shalt  }
0x7c: {  	_ =	shalt  }
0x7d: {  	_ =	shalt  }
0x7e: {  	_ =	shalt  }
0x7f: {  	_ =	shalt  }
0x80: {  	_ =	shalt  }
0x81: {  	_ =	shalt  }
0x82: {  	_ =	shalt  }
0x83: {  	_ =	shalt  }
0x84: {  	_ =	shalt  }
0x85: {  	_ =	shalt  }
0x86: {  	_ =	shalt  }
0x87: {  	_ =	shalt  }
.Lfunc_end0:
.L_simem_size_0:
called_computation.2_lowered:
.L_overlay_start_0:
0x88: {  	s2 =	sld [smem:$0x3FD9]  }
0x89: {  	s3 =	sld [smem:$0x3FFE];
	_ =	sdelay $0x1  }
0x8a: {  	s1 =	srdreg.scid  }
0x8b: {  	s0 =	sand.u32 $0x1, s1  }
0x8c: {  	s16 =	sshll.u32 s0, $0xA;
	s2 =	sadd.s32 s3, s2  }
0x8d: {  	s2 =	sadd.s32 s2, s16  }
0x8e: {  	[smem:$0x3FC0] =	sst s2  }
0x8f: {  	_ = 	snop  }
0x90: {  	(tm) =	ssettm $0x1  }
0x91: {  	s17 =	sld [smem:$0x3FFB];
	_ =	sdelay $0x3  }
0x92: {  	_ =	strace s17  }
0x93: {  	s2 =	sld [smem:$0x3FFC];
	_ =	sdelay $0x3  }
0x94: {  	_ =	strace s2  }
0x95: {  	s2 =	sld [smem:$0x3FFD];
	_ =	sdelay $0x3  }
0x96: {  	_ =	strace s2  }
0x97: {  	_ =	strace $0x8FFFFFFF  }
0x98: {  	s18 =	sld [smem:$0x3FDB];
	_ =	sdelay $0x1  }
0x99: {  	s19 =	simm.s32 $_scs_section_size  }
0x9a: {  	s4 =	simm.s32 $_size__tile_overlayer_lowered;
	s5 =	simm.s32 $_tile_overlayer_lowered  }
0x9b: {  	s22 =	simm.s32 $0x1BFF;
	s21 =	sshll.u32 s5, $0x1;
	s2 =	sadd.s32 s19, s18  }
0x9c: {  	s6 =	simm.s32 $0x0;
	s20 =	sshll.u32 s4, $0x1;
	s4 =	sadd.s32 s21, s2  }
0x9d: {  	[timem:s6], [sflag:s22] =	dma.local [hbm:s4], s20  }
0x9e: {  	_ =	swait.ge [sflag:s22], s20  }
0x9f: {  	s3 =	ssub.s32 $0x0, s20;
	[sflag:s22] =	ssyncset.done $0x0  }
0xa0: {  	[sflag:s22] =	ssyncadd.s32 s3;
	_ =	sdelay $0x1  }
0xa1: {  	s23 =	simm.s32 $0x1B8B  }
0xa2: {  	_ =	swait.ge [sflag:s23], $0x1  }
0xa3: {  	[sflag:s23] =	ssyncset.done $0x0  }
0xa4: {  	s25 =	simm.s32 $0x1B8E;
	s24 =	sld [smem:$0x3FFE];
	[sflag:s23] =	ssyncadd.s32 $0xFFFFFFFF  }
0xa5: {  	s26 =	simm.s32 $execute0_lowered;
	[smem:$0x3FD2] =	sst s25  }
0xa6: {  	s4 =	sshll.u32 s26, $0x1;
	_ =	strace $0x8000004C;
	[dreg:$0x1] =	wrdreg $0xFFFFFFFF  }
0xa7: {  	s28 =	simm.s32 $_size_execute0_lowered;
	s2 =	sadd.s32 s2, s4;
	[dreg:$0x0] =	wrdreg $0x0  }
0xa8: {  	s4 =	sshll.u32 s28, $0x1;
	[dreg:$0x2] =	wrdreg s2  }
0xa9: {  	[dreg:$0x3] =	wrdreg s4  }
0xaa: {  	[dreg:$0x4] =	wrdreg $0xC0  }
0xab: {  	_ =	task [dreg:s6], $0x5FFFF  }
0xac: {  	[dreg:$0x1] =	wrdreg $0xFFFFFFFF  }
0xad: {  	[dreg:$0x0] =	wrdreg $0x60  }
0xae: {  	[dreg:$0x2] =	wrdreg s24  }
0xaf: {  	[dreg:$0x3] =	wrdreg $0x60000  }
0xb0: {  	[dreg:$0x4] =	wrdreg $0x9  }
0xb1: {  	_ =	task.clear_ibuf [dreg:s6], $0x5FFFF;
	_ =	strace $0x9000004C  }
0xb2: {  	s29 =	simm.s32 $0x9;
	_ =	strace $0x8000004E  }
0xb3: {  	_ =	swait.ge [sflag:s29], $0x1  }
0xb4: {  	[sflag:s29] =	ssyncadd.s32 $0xFFFFFFFF  }
0xb5: {  	_ =	strace $0x9000004E  }
0xb6: {  	_ =	sfence  }
0xb7: {  	s30 =	sld [smem:$0x0];
	_ =	sdelay $0x2  }
0xb8: {  	s31 =	sshll.u32 s1, $0xD;
	s1 =	sshrl.u32 s1, $0x2  }
0xb9: {  	s3 =	sand.u32 $0x4000, s31;
	s1 =	sadd.s32 s1, s30  }
0xba: {  	s0 =	sor.u32 s3, s0;
	s1 =	sshll.u32 s1, $0x11  }
0xbb: {  	s0 =	sor.u32 s1, s0  }
0xbc: {  	s0 =	sadd.s32 $0x8F2B, s0  }
0xbd: {  	[sflag:s0] =	ssyncadd.remote.s32 $0x1  }
0xbe: {  	_ =	sfence.sel $0xFFFF  }
0xbf: {  	[dreg:$0x0] =	wrdreg $0xFFFFFFFF;
	(pc) =	sbr.abs _section_cstart, $3  }
0xc0: {  	[dreg:$0x1] =	wrdreg $0xFFFFFFFF  }
0xc1: {  	_ =	task.clear_ibuf [dreg:s6], $0x2FFFF;
	_ =	strace $0x9FFFFFFF  }
0xc2: {  	(tm) =	ssettm $0x7FFFFFFF  }
0xc3: {  	_ =	shalt  }
tec
execute0_lowered:
.L_overlay_start_1:
0x0: {  	(tag) =	ssettag $0x1  }
0x1: {  	s0 =	srdreg.scid;
	s6 =	rddreg [dreg:$0x0]  }
0x2: {  	s2 =	rddreg [dreg:$0x1];
	s3 =	simm.s32 $0x0;
	s14 =	simm.s32 $0x80  }
0x3: {  	s15 =	simm.s32 $0x5000;
	s16 =	simm.s32 $0x5800;
	s17 =	simm.s32 $0x1  }
0x4: {  	s18 =	simm.s32 $0x2;
	s19 =	simm.s32 $0x2780;
	s20 =	simm.s32 $0x4F00  }
0x5: {  	s21 =	simm.s32 $0x4F80;
	s5 =	sand.u32 $0x1, s0;
	s0 =	stileid.u32  }
0x6: {  	s22 =	simm.s32 $0x0;
	[smem:$0x7FF] =	sst s3;
	s8 =	smul.u32 $0x2800, s0  }
0x7: {  	s4 =	sadd.s32 $0x1A800, s6;
	s1 =	sshll.u32 s5, $0x4;
	s9 =	smul.u32 $0x28000, s5  }
0x8: {  	s5 =	ssub.s32 $0x2, s5;
	s12 =	sshll.u32 s0, $0x6;
	s1 =	sor.u32 s0, s1  }
0x9: {  	s31 =	sshrl.u32 s5, $0x1;
	s12 =	sor.u32 $0x1C03, s12;
	s7 =	smul.u32 $0x500, s1  }
0xa: {  	s1 =	rddreg [dreg:$0x2];
	_ =	strace $0x8000004D;
	s9 =	sadd.s32 s8, s9  }
0xb: {  	s10 =	sshrl.u32 s8, $0x3;
	s11 =	ssub.s32 s5, s31;
	s13 =	sadd.s32 s8, s2  }
0xc: {  	s9 =	sshrl.u32 s9, $0x3;
	s10 =	sadd.s32 s10, s6;
	s7 =	sadd.s32 s7, s6  }
0xd: {  	s13 =	sshrl.u32 s13, $0x3;
	s9 =	sadd.s32 s9, s6;
	s5 =	sadd.s32 $0x10800, s7  }
0xe: {  	s6 =	sadd.s32 $0x1800, s7;
	s7 =	sadd.s32 $0xB800, s10;
	s8 =	sadd.s32 $0x1F800, s9  }
0xf: {  	s9 =	smax.u32 s11, $0x1;
	s10 =	simm.s32 $0x3;
	s11 =	simm.s32 $0x2800  }
.LBB2_1:
0x10: {  	[tilespmem:s3], [sflag:$0x3] =	stream.linear.gather [hbm4b:s5+s3], $0x2800, $0x38;
	[tilespmem:$0x8800] =	vst v63  }
0x11: {  	_ =	swait.ge [sflag:s10], $0x2800  }
0x12: {  	[sflag:s10] =	ssyncset.done $0x0  }
0x13: {  	[sflag:s10] =	ssyncadd.s32 $0xFFFFD800  }
0x14: {  	[tilespmem:s11], [sflag:$0x3] =	stream.linear.gather [hbm4b:s6+s3], $0x2800, $0x38;
	[tilespmem:$0x8800] =	vst v63  }
0x15: {  	_ =	swait.ge [sflag:s10], $0x2800  }
0x16: {  	[sflag:s10] =	ssyncset.done $0x0  }
0x17: {  	[sflag:s10] =	ssyncadd.s32 $0xFFFFD800  }
0x18: {  	[spmem:s13], [sflag:s12] =	dma.local [hbm:s7], $0x500  }
0x19: {  	_ =	swait.ge [sflag:s10], $0x500  }
0x1a: {  	[sflag:s10] =	ssyncset.done $0x0  }
0x1b: {  	[sflag:s10] =	ssyncadd.s32 $0xFFFFFB00  }
0x1c: {  	[bflag:$0x0] =	sbarrier.arrive $0xFFFF  }
0x1d: {  	[tilespmem:s15], [sflag:$0x1] =	stream.indirect.gather [hbm4b:s4+s14], $0x10, s3, s14, $0xb8;
	[tilespmem:$0x8800] =	vst v63  }
0x1e: {  	s23 =	simm.s32 $0x80  }
0x1f: {  	[tilespmem:s16], [sflag:$0x2] =	stream.indirect.gather [hbm4b:s4+s14], $0x10, s23, s14, $0xb8;
	[tilespmem:$0x8800] =	vst v63  }
0x20: {  	_ =	swait.ge [sflag:s17], $0x800  }
0x21: {  	[sflag:s17] =	ssyncset.done $0x0  }
0x22: {  	s29 =	simm.s32 $0x2800;
	[sflag:s17] =	ssyncadd.s32 $0xFFFFF800  }
0x23: {  	[spmem:s2] =	stream.indirect.scatter.add.f32 [tilespmem:s15], [sflag:$0x3], $0x10, s29, s14, $0xb8;
	[tilespmem:$0x8800] =	vst v63  }
0x24: {  	_ =	swait.ge [sflag:s10], $0x800  }
0x25: {  	[sflag:s10] =	ssyncset.done $0x0  }
0x26: {  	s30 =	simm.s32 $0x100;
	[sflag:s10] =	ssyncadd.s32 $0xFFFFF800  }
0x27: {  	[tilespmem:s15], [sflag:$0x1] =	stream.indirect.gather [hbm4b:s4+s14], $0x10, s30, s14, $0xb8;
	[tilespmem:$0x8800] =	vst v63  }
0x28: {  	_ =	swait.ge [sflag:s18], $0x800  }
0x29: {  	[sflag:s18] =	ssyncset.done $0x0  }
0x2a: {  	s31 =	simm.s32 $0x2880;
	[sflag:s18] =	ssyncadd.s32 $0xFFFFF800  }
0x2b: {  	[spmem:s2] =	stream.indirect.scatter.add.f32 [tilespmem:s16], [sflag:$0x3], $0x10, s31, s14, $0xb8;
	[tilespmem:$0x8800] =	vst v63  }
0x2c: {  	_ =	swait.ge [sflag:s10], $0x800  }
0x2d: {  	s24 =	simm.s32 $0x800;
	s23 =	simm.s32 $0x100;
	[sflag:s10] =	ssyncset.done $0x0  }
.LBB2_2:
0x2e: {  	s25 =	sadd.s32 $0x80, s23  }
0x2f: {  	[sflag:s10] =	ssyncadd.s32 $0xFFFFF800;
	s26 =	smov.u32 s24;
	s28 =	sadd.s32 $0x400, s24  }
0x30: {  	[tilespmem:s16], [sflag:$0x2] =	stream.indirect.gather [hbm4b:s4+s14], $0x10, s25, s14, $0xb8;
	[tilespmem:$0x8800] =	vst v63  }
0x31: {  	p0 =	sne.s32 s24, $0x9800;
	_ =	swait.ge [sflag:s17], $0x800  }
0x32: {  	[sflag:s17] =	ssyncset.done $0x0  }
0x33: {  	s24 =	sadd.s32 $0x2800, s23;
	[sflag:s17] =	ssyncadd.s32 $0xFFFFF800  }
0x34: {  	[spmem:s2] =	stream.indirect.scatter.add.f32 [tilespmem:s15], [sflag:$0x3], $0x10, s24, s14, $0xb8;
	[tilespmem:$0x8800] =	vst v63  }
0x35: {  	_ =	swait.ge [sflag:s10], $0x800  }
0x36: {  	[sflag:s10] =	ssyncset.done $0x0  }
0x37: {  	s24 =	sadd.s32 $0x100, s23;
	[sflag:s10] =	ssyncadd.s32 $0xFFFFF800  }
0x38: {  	[tilespmem:s15], [sflag:$0x1] =	stream.indirect.gather [hbm4b:s4+s14], $0x10, s24, s14, $0xb8;
	[tilespmem:$0x8800] =	vst v63  }
0x39: {  	_ =	swait.ge [sflag:s18], $0x800  }
.Ltmp0:
0x3a: {  	[sflag:s18] =	ssyncset.done $0x0;
	(pc) =	sbr.rel @p0 .LBB2_2-.Ltmp0, $4  }
0x3b: {  	s23 =	sadd.s32 $0x2880, s23;
	[sflag:s18] =	ssyncadd.s32 $0xFFFFF800  }
0x3c: {  	[spmem:s2] =	stream.indirect.scatter.add.f32 [tilespmem:s16], [sflag:$0x3], $0x10, s23, s14, $0xb8;
	[tilespmem:$0x8800] =	vst v63  }
0x3d: {  	_ =	swait.ge [sflag:s10], $0x800  }
0x3e: {  	s24 =	smov.u32 s28;
	s23 =	sshra.s32 s26, $0x2;
	[sflag:s10] =	ssyncset.done $0x0  }
0x3f: {  	s24 =	sadd.s32 $0x80, s23;
	[sflag:s10] =	ssyncadd.s32 $0xFFFFF800  }
0x40: {  	[tilespmem:s16], [sflag:$0x2] =	stream.indirect.gather [hbm4b:s4+s14], $0x10, s24, s14, $0xb8;
	[tilespmem:$0x8800] =	vst v63  }
0x41: {  	_ =	swait.ge [sflag:s17], $0x800  }
0x42: {  	[sflag:s17] =	ssyncset.done $0x0  }
0x43: {  	s29 =	sadd.s32 $0x2800, s23;
	[sflag:s17] =	ssyncadd.s32 $0xFFFFF800  }
0x44: {  	[spmem:s2] =	stream.indirect.scatter.add.f32 [tilespmem:s15], [sflag:$0x3], $0x10, s29, s14, $0xb8;
	[tilespmem:$0x8800] =	vst v63  }
0x45: {  	_ =	swait.ge [sflag:s10], $0x800  }
0x46: {  	[sflag:s10] =	ssyncset.done $0x0  }
0x47: {  	s30 =	sadd.s32 $0x100, s23;
	[sflag:s10] =	ssyncadd.s32 $0xFFFFF800  }
0x48: {  	[tilespmem:s15], [sflag:$0x1] =	stream.indirect.gather [hbm4b:s4+s14], $0x10, s30, s14, $0xb8;
	[tilespmem:$0x8800] =	vst v63  }
0x49: {  	_ =	swait.ge [sflag:s18], $0x800  }
0x4a: {  	[sflag:s18] =	ssyncset.done $0x0  }
0x4b: {  	s31 =	sadd.s32 $0x2880, s23;
	[sflag:s18] =	ssyncadd.s32 $0xFFFFF800  }
0x4c: {  	[spmem:s2] =	stream.indirect.scatter.add.f32 [tilespmem:s16], [sflag:$0x3], $0x10, s31, s14, $0xb8;
	[tilespmem:$0x8800] =	vst v63  }
0x4d: {  	_ =	swait.ge [sflag:s10], $0x800  }
0x4e: {  	[sflag:s10] =	ssyncset.done $0x0  }
0x4f: {  	[sflag:s10] =	ssyncadd.s32 $0xFFFFF800  }
0x50: {  	[tilespmem:s16], [sflag:$0x2] =	stream.indirect.gather [hbm4b:s4+s14], $0x10, s19, s14, $0xb8;
	[tilespmem:$0x8800] =	vst v63  }
0x51: {  	_ =	swait.ge [sflag:s17], $0x800  }
0x52: {  	[sflag:s17] =	ssyncset.done $0x0  }
0x53: {  	[sflag:s17] =	ssyncadd.s32 $0xFFFFF800  }
0x54: {  	[spmem:s2] =	stream.indirect.scatter.add.f32 [tilespmem:s15], [sflag:$0x3], $0x10, s20, s14, $0xb8;
	[tilespmem:$0x8800] =	vst v63  }
0x55: {  	_ =	swait.ge [sflag:s10], $0x800  }
0x56: {  	[sflag:s10] =	ssyncset.done $0x0  }
0x57: {  	[sflag:s10] =	ssyncadd.s32 $0xFFFFF800  }
0x58: {  	_ =	swait.ge [sflag:s18], $0x800  }
0x59: {  	[sflag:s18] =	ssyncset.done $0x0  }
0x5a: {  	[sflag:s18] =	ssyncadd.s32 $0xFFFFF800  }
0x5b: {  	[spmem:s2] =	stream.indirect.scatter.add.f32 [tilespmem:s16], [sflag:$0x3], $0x10, s21, s14, $0xb8;
	[tilespmem:$0x8800] =	vst v63  }
0x5c: {  	_ =	swait.ge [sflag:s10], $0x800  }
0x5d: {  	s22 =	sadd.s32 $0x1, s22;
	[sflag:s10] =	ssyncset.done $0x0  }
0x5e: {  	p0 =	sne.s32 s22, s9;
	[sflag:s10] =	ssyncadd.s32 $0xFFFFF800  }
.Ltmp1:
0x5f: {  	[bflag:$0x0] =	sbarrier.arrive $0xFFFF;
	(pc) =	sbr.rel @p0 .LBB2_1-.Ltmp1, $4  }
0x60: {  	[hbm:s8], [sflag:s12] =	dma.local [spmem:s13], $0x500  }
0x61: {  	_ =	swait.ge [sflag:s10], $0x500  }
0x62: {  	[sflag:s10] =	ssyncset.done $0x0  }
0x63: {  	[sflag:s10] =	ssyncadd.s32 $0xFFFFFB00  }
0x64: {  	_ =	sfence.sel $0x180000  }
0x65: {  	[bflag:$0x0] =	sbarrier.arrive $0xFFFF  }
0x66: {  	p0 =	sne.s32 s0, $0x0;
	_ =	strace $0x9000004D  }
0x67: {  	s0 =	sadd.s32 @!p0 $0x100000, s1;
	[bflag:$0x2] =	sbarrier.arrive $0xFFFF  }
0x68: {  	[sflag:s0] =	ssyncadd.tile.s32 @!p0 $0x1;
	_ =	shalt  }
.Lfunc_end2:
_tile_overlayer_lowered:
.L_overlay_start_2:
0x69: {  	(tag) =	ssettag $0x2  }
0x6a: {  	s0 =	rddreg [dreg:$0x0];
	s2 =	stileid.u32  }
0x6b: {  	s1 =	rddreg [dreg:$0x1];
	p0 =	sne.s32 s2, $0x0  }
0x6c: {  	s3 =	rddreg [dreg:$0x2];
	[bflag:$0x3] =	sbarrier.arrive $0xFFFF;
	s2 =	simm.s32 @!p0 $0x1C03  }
0x6d: {  	[timem:s3], [sflag:s2] =	dma.local @!p0 [hbm:s0], s1  }
0x6e: {  	s0 =	simm.s32 @!p0 $0x3  }
0x6f: {  	_ =	swait.ge @!p0 [sflag:s0], s1  }
0x70: {  	s1 =	ssub.s32 @!p0 $0x0, s1;
	[sflag:s0] =	ssyncset.done @!p0 $0x0  }
0x71: {  	[sflag:s0] =	ssyncadd.s32 @!p0 s1  }
0x72: {  	[bflag:$0x3] =	sbarrier.arrive $0xFFFF  }
0x73: {  	_ =	shalt  }

// kernel: kernel.8.cloned.1.call-start
scs
__scs_entry_jumppad:
0x0: {  	(pc) =	sbr.rel $0x88, $3  }
0x1: {  	(tag) =	ssettag $0x0;
	lr =	simm.s32 $0x1  }
0x2: {  	[smem:$0x3F99] =	sst lr;
	_ =	strace $0xD0000000  }
0x3: {  	_ = 	snop  }
0x4: {  	_ = 	snop  }
0x5: {  	_ = 	snop  }
0x6: {  	_ = 	snop  }
0x7: {  	_ = 	snop  }
__scs_overlays_trampoline_lowered:
0x8: {  	[smem:$0x3FA8] =	sst s0  }
0x9: {  	[smem:$0x3FA9] =	sst s1  }
0xa: {  	[smem:$0x3FAA] =	sst s2  }
0xb: {  	[smem:$0x3FAB] =	sst s3  }
0xc: {  	[smem:$0x3FAC] =	sst s4  }
0xd: {  	[smem:$0x3FAD] =	sst s5  }
0xe: {  	[smem:$0x3FAE] =	sst s6  }
0xf: {  	[smem:$0x3FAF] =	sst s7  }
0x10: {  	[smem:$0x3FB0] =	sst s8  }
0x11: {  	[smem:$0x3FB1] =	sst s9;
	s0 =	simm.s32 @!p0 $0x0  }
0x12: {  	s1 =	sld [smem:$0x3F97];
	s0 =	simm.s32 @p0 $0x1  }
0x13: {  	[smem:$0x3FB2] =	sst s0;
	s0 =	simm.s32 @!p1 $0x0  }
0x14: {  	s2 =	sld [smem:$0x3F96];
	s0 =	simm.s32 @p1 $0x1  }
0x15: {  	[smem:$0x3FB3] =	sst s0;
	s0 =	simm.s32 @!p2 $0x0  }
0x16: {  	s3 =	sld [smem:$0x3FDB];
	s0 =	simm.s32 @p2 $0x1  }
0x17: {  	s4 =	simm.s32 $0x1BF5;
	[smem:$0x3FB5] =	sst s0  }
0x18: {  	s0 =	sld [smem:$0x3F98];
	_ =	swait.ge [sflag:s4], $0x0  }
0x19: {  	s7 =	sld [smem:$0x3F99]  }
0x1a: {  	s8 =	sadd.s32 $0xFFFFE003, lr  }
0x1b: {  	s9 =	sadd.s32 $0xFFFFFEF7, lr;
	s5 =	simm.s32 $0xFFFFFFFF;
	p2 =	slt.u32 s8, $0xFFFFF086  }
0x1c: {  	p1 =	slt.u32 s9, $0xF7A;
	s5 =	simm.s32 @!p2 $0x0  }
0x1d: {  	s5 =	simm.s32 @p1 $0x1;
	p0 =	seq.s32 s7, s2  }
0x1e: {  	s7 =	smul.u32 @!p0 $0xF7A, s2;
	p2 =	seq.s32 @!p0 s5, $0x0  }
0x1f: {  	s9 =	smul.u32 $0xF7A, s1;
	s8 =	simm.s32 @!p0 $0x1BF5;
	p2 =	por !p2, p0  }
0x20: {  	[sflag:s8] =	ssyncset.s32 @!p0 $0xFFFFF086;
	s6 =	sadd.s32 @!p0 s3, s7;
	s7 =	simm.s32 @!p0 $0x108  }
0x21: {  	s3 =	sadd.s32 s3, s9;
	s6 =	sadd.s32 @!p0 $0x88, s6;
	s7 =	simm.s32 @p2 $0x1082  }
0x22: {  	[simem:s7], [sflag:s8] =	dma.local @!p0 [hbm:s6], $0xF7A  }
0x23: {  	s9 =	sor.u32 $0xD0000000, s2;
	s6 =	simm.s32 $0x108;
	_ =	swait.ge @!p0 [sflag:s8], $0x0  }
0x24: {  	s3 =	sadd.s32 $0x88, s3;
	s6 =	simm.s32 @!p1 $0x1082;
	[sflag:s4] =	ssyncset.s32 $0xFFFFF086  }
0x25: {  	[simem:s6], [sflag:s4] =	dma.local [hbm:s3], $0xF7A  }
0x26: {  	[smem:$0x3F99] =	sst s1;
	(tag) =	ssettag s2;
	_ =	strace s9  }
0x27: {  	s1 =	sld [smem:$0x3FA9]  }
0x28: {  	s2 =	sld [smem:$0x3FAA]  }
0x29: {  	s4 =	sld [smem:$0x3FAC]  }
0x2a: {  	p0 =	seq.s32 s5, $0x0;
	s5 =	sld [smem:$0x3FAD]  }
0x2b: {  	s6 =	sld [smem:$0x3FAE]  }
0x2c: {  	s7 =	sld [smem:$0x3FAF]  }
0x2d: {  	s3 =	simm.s32 $0x108;
	s8 =	sld [smem:$0x3FB0]  }
0x2e: {  	s3 =	simm.s32 @!p0 $0x1082;
	s9 =	sld [smem:$0x3FB1]  }
0x2f: {  	lr =	sadd.s32 s0, s3;
	s0 =	sld [smem:$0x3FA8]  }
0x30: {  	s3 =	sld [smem:$0x3FAB]  }
0x31: {  	[smem:$0x3FB4] =	sst s10  }
0x32: {  	s10 =	sld [smem:$0x3FB2];
	_ =	sdelay $0x3  }
0x33: {  	p0 =	seq.s32 s10, $0x1;
	s10 =	sld [smem:$0x3FB4];
	_ =	sdelay $0x3  }
0x34: {  	[smem:$0x3FB4] =	sst s10  }
0x35: {  	s10 =	sld [smem:$0x3FB3];
	_ =	sdelay $0x3  }
0x36: {  	p1 =	seq.s32 s10, $0x1;
	s10 =	sld [smem:$0x3FB4];
	_ =	sdelay $0x3  }
0x37: {  	[smem:$0x3FB4] =	sst s10  }
0x38: {  	s10 =	sld [smem:$0x3FB5]  }
0x39: {  	_ = 	snop;
	(pc) =	sbr.ind lr, $3  }
0x3a: {  	_ = 	snop  }
0x3b: {  	_ = 	snop  }
0x3c: {  	p2 =	seq.s32 s10, $0x1;
	s10 =	sld [smem:$0x3FB4]  }
0x3d: {  	_ =	shalt  }
0x3e: {  	_ =	shalt  }
0x3f: {  	_ =	shalt  }
0x40: {  	_ =	shalt  }
0x41: {  	_ =	shalt  }
0x42: {  	_ =	shalt  }
0x43: {  	_ =	shalt  }
0x44: {  	_ =	shalt  }
0x45: {  	_ =	shalt  }
0x46: {  	_ =	shalt  }
0x47: {  	_ =	shalt  }
0x48: {  	_ =	shalt  }
0x49: {  	_ =	shalt  }
0x4a: {  	_ =	shalt  }
0x4b: {  	_ =	shalt  }
0x4c: {  	_ =	shalt  }
0x4d: {  	_ =	shalt  }
0x4e: {  	_ =	shalt  }
0x4f: {  	_ =	shalt  }
0x50: {  	_ =	shalt  }
0x51: {  	_ =	shalt  }
0x52: {  	_ =	shalt  }
0x53: {  	_ =	shalt  }
0x54: {  	_ =	shalt  }
0x55: {  	_ =	shalt  }
0x56: {  	_ =	shalt  }
0x57: {  	_ =	shalt  }
0x58: {  	_ =	shalt  }
0x59: {  	_ =	shalt  }
0x5a: {  	_ =	shalt  }
0x5b: {  	_ =	shalt  }
0x5c: {  	_ =	shalt  }
0x5d: {  	_ =	shalt  }
0x5e: {  	_ =	shalt  }
0x5f: {  	_ =	shalt  }
0x60: {  	_ =	shalt  }
0x61: {  	_ =	shalt  }
0x62: {  	_ =	shalt  }
0x63: {  	_ =	shalt  }
0x64: {  	_ =	shalt  }
0x65: {  	_ =	shalt  }
0x66: {  	_ =	shalt  }
0x67: {  	_ =	shalt  }
0x68: {  	_ =	shalt  }
0x69: {  	_ =	shalt  }
0x6a: {  	_ =	shalt  }
0x6b: {  	_ =	shalt  }
0x6c: {  	_ =	shalt  }
0x6d: {  	_ =	shalt  }
0x6e: {  	_ =	shalt  }
0x6f: {  	_ =	shalt  }
0x70: {  	_ =	shalt  }
0x71: {  	_ =	shalt  }
0x72: {  	_ =	shalt  }
0x73: {  	_ =	shalt  }
0x74: {  	_ =	shalt  }
0x75: {  	_ =	shalt  }
0x76: {  	_ =	shalt  }
0x77: {  	_ =	shalt  }
0x78: {  	_ =	shalt  }
0x79: {  	_ =	shalt  }
0x7a: {  	_ =	shalt  }
0x7b: {  	_ =	shalt  }
0x7c: {  	_ =	shalt  }
0x7d: {  	_ =	shalt  }
0x7e: {  	_ =	shalt  }
0x7f: {  	_ =	shalt  }
0x80: {  	_ =	shalt  }
0x81: {  	_ =	shalt  }
0x82: {  	_ =	shalt  }
0x83: {  	_ =	shalt  }
0x84: {  	_ =	shalt  }
0x85: {  	_ =	shalt  }
0x86: {  	_ =	shalt  }
0x87: {  	_ =	shalt  }
.Lfunc_end0:
.L_simem_size_0:
called_computation_lowered:
.L_overlay_start_0:
0x88: {  	s2 =	sld [smem:$0x3FD9]  }
0x89: {  	s3 =	sld [smem:$0x3FFE];
	_ =	sdelay $0x1  }
0x8a: {  	s1 =	srdreg.scid  }
0x8b: {  	s0 =	sand.u32 $0x1, s1  }
0x8c: {  	s16 =	sshll.u32 s0, $0xA;
	s2 =	sadd.s32 s3, s2  }
0x8d: {  	s2 =	sadd.s32 s2, s16  }
0x8e: {  	[smem:$0x3FC0] =	sst s2  }
0x8f: {  	_ = 	snop  }
0x90: {  	(tm) =	ssettm $0x1  }
0x91: {  	s17 =	sld [smem:$0x3FFB];
	_ =	sdelay $0x3  }
0x92: {  	_ =	strace s17  }
0x93: {  	s2 =	sld [smem:$0x3FFC];
	_ =	sdelay $0x3  }
0x94: {  	_ =	strace s2  }
0x95: {  	s2 =	sld [smem:$0x3FFD];
	_ =	sdelay $0x3  }
0x96: {  	_ =	strace s2  }
0x97: {  	_ =	strace $0x8FFFFFFF  }
0x98: {  	s18 =	sld [smem:$0x3FDB];
	_ =	sdelay $0x1  }
0x99: {  	s19 =	simm.s32 $_scs_section_size  }
0x9a: {  	s4 =	simm.s32 $_size__tile_overlayer_lowered;
	s5 =	simm.s32 $_tile_overlayer_lowered  }
0x9b: {  	s22 =	simm.s32 $0x1BFF;
	s21 =	sshll.u32 s5, $0x1;
	s2 =	sadd.s32 s19, s18  }
0x9c: {  	s6 =	simm.s32 $0x0;
	s20 =	sshll.u32 s4, $0x1;
	s4 =	sadd.s32 s21, s2  }
0x9d: {  	[timem:s6], [sflag:s22] =	dma.local [hbm:s4], s20  }
0x9e: {  	_ =	swait.ge [sflag:s22], s20  }
0x9f: {  	s3 =	ssub.s32 $0x0, s20;
	[sflag:s22] =	ssyncset.done $0x0  }
0xa0: {  	[sflag:s22] =	ssyncadd.s32 s3;
	_ =	sdelay $0x1  }
0xa1: {  	s23 =	simm.s32 $0x1B8B  }
0xa2: {  	_ =	swait.ge [sflag:s23], $0x1  }
0xa3: {  	[sflag:s23] =	ssyncset.done $0x0  }
0xa4: {  	s25 =	simm.s32 $0x1B8E;
	s24 =	sld [smem:$0x3FFE];
	[sflag:s23] =	ssyncadd.s32 $0xFFFFFFFF  }
0xa5: {  	s26 =	simm.s32 $execute0_lowered;
	[smem:$0x3FD2] =	sst s25  }
0xa6: {  	s4 =	sshll.u32 s26, $0x1;
	_ =	strace $0x80000046;
	[dreg:$0x1] =	wrdreg $0xFFFFFFFF  }
0xa7: {  	s28 =	simm.s32 $_size_execute0_lowered;
	s2 =	sadd.s32 s2, s4;
	[dreg:$0x0] =	wrdreg $0x0  }
0xa8: {  	s4 =	sshll.u32 s28, $0x1;
	[dreg:$0x2] =	wrdreg s2  }
0xa9: {  	[dreg:$0x3] =	wrdreg s4  }
0xaa: {  	[dreg:$0x4] =	wrdreg $0xC0  }
0xab: {  	_ =	task [dreg:s6], $0x5FFFF  }
0xac: {  	[dreg:$0x1] =	wrdreg $0xFFFFFFFF  }
0xad: {  	[dreg:$0x0] =	wrdreg $0x60  }
0xae: {  	[dreg:$0x2] =	wrdreg s24  }
0xaf: {  	[dreg:$0x3] =	wrdreg $0x30000  }
0xb0: {  	[dreg:$0x4] =	wrdreg $0x9  }
0xb1: {  	_ =	task.clear_ibuf [dreg:s6], $0x5FFFF;
	_ =	strace $0x90000046  }
0xb2: {  	s29 =	simm.s32 $0x9;
	_ =	strace $0x80000048  }
0xb3: {  	_ =	swait.ge [sflag:s29], $0x1  }
0xb4: {  	[sflag:s29] =	ssyncadd.s32 $0xFFFFFFFF  }
0xb5: {  	_ =	strace $0x90000048  }
0xb6: {  	_ =	sfence  }
0xb7: {  	s30 =	sld [smem:$0x0];
	_ =	sdelay $0x2  }
0xb8: {  	s31 =	sshll.u32 s1, $0xD;
	s1 =	sshrl.u32 s1, $0x2  }
0xb9: {  	s3 =	sand.u32 $0x4000, s31;
	s1 =	sadd.s32 s1, s30  }
0xba: {  	s0 =	sor.u32 s3, s0;
	s1 =	sshll.u32 s1, $0x11  }
0xbb: {  	s0 =	sor.u32 s1, s0  }
0xbc: {  	s0 =	sadd.s32 $0x8F2B, s0  }
0xbd: {  	[sflag:s0] =	ssyncadd.remote.s32 $0x1  }
0xbe: {  	_ =	sfence.sel $0xFFFF  }
0xbf: {  	[dreg:$0x0] =	wrdreg $0xFFFFFFFF;
	(pc) =	sbr.abs _section_cstart, $3  }
0xc0: {  	[dreg:$0x1] =	wrdreg $0xFFFFFFFF  }
0xc1: {  	_ =	task.clear_ibuf [dreg:s6], $0x2FFFF;
	_ =	strace $0x9FFFFFFF  }
0xc2: {  	(tm) =	ssettm $0x7FFFFFFF  }
0xc3: {  	_ =	shalt  }
tec
execute0_lowered:
.L_overlay_start_1:
0x0: {  	(tag) =	ssettag $0x1  }
0x1: {  	s6 =	rddreg [dreg:$0x0]  }
0x2: {  	s0 =	srdreg.scid;
	s2 =	rddreg [dreg:$0x1]  }
0x3: {  	s3 =	simm.s32 $0x0;
	s5 =	sand.u32 $0x1, s0;
	s0 =	stileid.u32  }
0x4: {  	s13 =	simm.s32 $0x80;
	s14 =	simm.s32 $0x0;
	s7 =	smul.u32 $0x2800, s0  }
0x5: {  	[smem:$0x7FF] =	sst s3;
	s1 =	sshll.u32 s5, $0x4;
	s8 =	smul.u32 $0x28000, s5  }
0x6: {  	s5 =	ssub.s32 $0x2, s5;
	s31 =	sshll.u32 s0, $0x6;
	s1 =	sor.u32 s0, s1  }
0x7: {  	s11 =	sshrl.u32 s5, $0x1;
	s4 =	smul.u32 $0x500, s1;
	s1 =	rddreg [dreg:$0x2]  }
0x8: {  	_ =	strace $0x80000047;
	s8 =	sadd.s32 s7, s8;
	s10 =	sshrl.u32 s7, $0x3  }
0x9: {  	s11 =	ssub.s32 s5, s11;
	s12 =	sadd.s32 s7, s2;
	s8 =	sshrl.u32 s8, $0x3  }
0xa: {  	s10 =	sadd.s32 s10, s6;
	s12 =	sshrl.u32 s12, $0x3;
	s9 =	sadd.s32 s4, s6  }
0xb: {  	s4 =	sadd.s32 $0x10800, s6;
	s8 =	sadd.s32 s8, s6;
	s6 =	sadd.s32 $0xB800, s10  }
0xc: {  	s10 =	simm.s32 $0x2800;
	s5 =	sadd.s32 $0x1800, s9;
	s7 =	sadd.s32 $0x10A00, s8  }
0xd: {  	s8 =	smax.u32 s11, $0x1;
	s9 =	simm.s32 $0x1;
	s11 =	sor.u32 $0x1C01, s31  }
.LBB2_1:
0xe: {  	[tilespmem:s3], [sflag:$0x1] =	stream.linear.gather [hbm4b:s5+s3], $0x2800, $0x38;
	[tilespmem:$0x5800] =	vst v63  }
0xf: {  	_ =	swait.ge [sflag:s9], $0x2800  }
0x10: {  	[sflag:s9] =	ssyncset.done $0x0  }
0x11: {  	[sflag:s9] =	ssyncadd.s32 $0xFFFFD800  }
0x12: {  	[tilespmem:s10], [sflag:$0x1] =	stream.linear.gather [hbm4b:s4+s3], $0x800, $0x38;
	[tilespmem:$0x5800] =	vst v63  }
0x13: {  	_ =	swait.ge [sflag:s9], $0x800  }
0x14: {  	[sflag:s9] =	ssyncset.done $0x0  }
0x15: {  	[sflag:s9] =	ssyncadd.s32 $0xFFFFF800  }
0x16: {  	[spmem:s12], [sflag:s11] =	dma.local [hbm:s6], $0x500  }
0x17: {  	_ =	swait.ge [sflag:s9], $0x500  }
0x18: {  	[sflag:s9] =	ssyncset.done $0x0  }
0x19: {  	[sflag:s9] =	ssyncadd.s32 $0xFFFFFB00  }
0x1a: {  	s15 =	simm.s32 $0x0;
	[bflag:$0x0] =	sbarrier.arrive $0xFFFF  }
0x1b: {  	[spmem:s2] =	stream.indirect.scatter.add.f32 [tilespmem:s10], [sflag:$0x1], $0x10, s15, s13, $0xb8;
	[tilespmem:$0x5800] =	vst v63  }
0x1c: {  	_ =	swait.ge [sflag:s9], $0x800  }
0x1d: {  	s15 =	simm.s32 $0x200;
	[sflag:s9] =	ssyncset.done $0x0  }
.LBB2_2:
0x1e: {  	s16 =	sshra.s32 s15, $0x2;
	[sflag:s9] =	ssyncadd.s32 $0xFFFFF800;
	p0 =	sne.s32 s15, $0x9E00  }
0x1f: {  	[spmem:s2] =	stream.indirect.scatter.add.f32 [tilespmem:s10], [sflag:$0x1], $0x10, s16, s13, $0xb8;
	[tilespmem:$0x5800] =	vst v63  }
.Ltmp0:
0x20: {  	_ = 	snop;
	(pc) =	sbr.rel @p0 .LBB2_2-.Ltmp0, $4  }
0x21: {  	_ = 	snop  }
0x22: {  	s15 =	sadd.s32 $0x200, s15  }
0x23: {  	_ =	swait.ge [sflag:s9], $0x800  }
0x24: {  	[sflag:s9] =	ssyncset.done $0x0  }
0x25: {  	s14 =	sadd.s32 $0x1, s14  }
0x26: {  	[sflag:s9] =	ssyncadd.s32 $0xFFFFF800;
	p0 =	sne.s32 s14, s8  }
.Ltmp1:
0x27: {  	[bflag:$0x0] =	sbarrier.arrive $0xFFFF;
	(pc) =	sbr.rel @p0 .LBB2_1-.Ltmp1, $4  }
0x28: {  	[hbm:s7], [sflag:s11] =	dma.local [spmem:s12], $0x500  }
0x29: {  	_ =	swait.ge [sflag:s9], $0x500  }
0x2a: {  	[sflag:s9] =	ssyncset.done $0x0  }
0x2b: {  	[sflag:s9] =	ssyncadd.s32 $0xFFFFFB00  }
0x2c: {  	_ =	sfence.sel $0x180000  }
0x2d: {  	[bflag:$0x0] =	sbarrier.arrive $0xFFFF  }
0x2e: {  	p0 =	sne.s32 s0, $0x0;
	_ =	strace $0x90000047  }
0x2f: {  	s0 =	sadd.s32 @!p0 $0x100000, s1;
	[bflag:$0x2] =	sbarrier.arrive $0xFFFF  }
0x30: {  	[sflag:s0] =	ssyncadd.tile.s32 @!p0 $0x1;
	_ =	shalt  }
.Lfunc_end2:
_tile_overlayer_lowered:
.L_overlay_start_2:
0x31: {  	(tag) =	ssettag $0x2  }
0x32: {  	s0 =	rddreg [dreg:$0x0];
	s2 =	stileid.u32  }
0x33: {  	s1 =	rddreg [dreg:$0x1];
	p0 =	sne.s32 s2, $0x0  }
0x34: {  	s3 =	rddreg [dreg:$0x2];
	[bflag:$0x3] =	sbarrier.arrive $0xFFFF;
	s2 =	simm.s32 @!p0 $0x1C01  }
0x35: {  	[timem:s3], [sflag:s2] =	dma.local @!p0 [hbm:s0], s1  }
0x36: {  	s0 =	simm.s32 @!p0 $0x1  }
0x37: {  	_ =	swait.ge @!p0 [sflag:s0], s1  }
0x38: {  	s1 =	ssub.s32 @!p0 $0x0, s1;
	[sflag:s0] =	ssyncset.done @!p0 $0x0  }
0x39: {  	[sflag:s0] =	ssyncadd.s32 @!p0 s1  }
0x3a: {  	[bflag:$0x3] =	sbarrier.arrive $0xFFFF  }
0x3b: {  	_ =	shalt  }

</sc_bundles>
